<compile_context>
chip_gen: v7x
topology: tpu7x:2x2x1
jax: 0.10.2.dev20260603
libtpu: 0.0.44.dev20260713+nightly
codegen_flags: <defaults>
</compile_context>

<pallas_src>
import functools

import jax
import jax.numpy as jnp
from jax import lax
from jax.experimental import pallas as pl
from jax.experimental.pallas import tpu as pltpu
from jax.experimental.pallas import tpu_sc as plsc

HID = 768
NE = 64
T = 32768
H2 = 2 * HID

NC = 2
NS = 16
L = 16
NW = NC * NS
CHUNK = T // NW
CORE_TOK = T // NC

BR = 512
BT = 256
CAPC = CORE_TOK + BT
NBLK = CORE_TOK // BT


def _gate_weight(logits):
  col = lax.broadcasted_iota(jnp.int32, logits.shape, 1)
  is_last = col == (NE - 1)
  neg = jnp.float32(-jnp.inf)
  l_last = jnp.max(jnp.where(is_last, logits, neg), axis=1, keepdims=True)
  m_others = jnp.max(jnp.where(is_last, neg, logits), axis=1, keepdims=True)
  cnt = jnp.sum(
      jnp.where(is_last | (logits < l_last), 0.0, 1.0), axis=1, keepdims=True
  )
  sel = cnt <= 1.0
  return jnp.where(sel, jax.nn.sigmoid(l_last - m_others), 0.0)


def _router_body(x_ref, wr_ref, br_ref, w_ref, cnt_ref):
  logits = (
      jnp.dot(x_ref[...], wr_ref[...], preferred_element_type=jnp.float32)
      + br_ref[...]
  )
  wgt = _gate_weight(logits)
  w_ref[...] = wgt
  cnt_ref[...] = jnp.sum((wgt > 0.0).astype(jnp.float32)).reshape(1, 1, 1)


def _router(x, wr, br2):
  return pl.pallas_call(
      _router_body,
      grid=(T // BR,),
      in_specs=[
          pl.BlockSpec((BR, HID), lambda i: (i, 0)),
          pl.BlockSpec((HID, NE), lambda i: (0, 0)),
          pl.BlockSpec((1, NE), lambda i: (0, 0)),
      ],
      out_specs=[
          pl.BlockSpec((BR, 1), lambda i: (i, 0)),
          pl.BlockSpec((1, 1, 1), lambda i: (i, 0, 0)),
      ],
      out_shape=[
          jax.ShapeDtypeStruct((T, 1), jnp.float32),
          jax.ShapeDtypeStruct((T // BR, 1, 1), jnp.float32),
      ],
  )(x, wr, br2)


def _compact_body(w_hbm, x_hbm, bases_hbm, xc, wv, lids, rows, bb, sem):
  cid = lax.axis_index("c")
  sid = lax.axis_index("s")
  gw = cid * NS + sid
  base_tok = gw * CHUNK
  pltpu.sync_copy(w_hbm.at[pl.ds(base_tok, CHUNK)], wv)
  pltpu.sync_copy(bases_hbm, bb)
  iota = lax.iota(jnp.int32, L)

  def step(j, carry):
    off, uid = carry
    v = wv[pl.ds(j * L, L)]
    m = v > 0.0
    ids = base_tok + j * L + iota
    pos = off + plsc.cumsum(jnp.where(m, 1, 0).astype(jnp.int32)) - 1
    plsc.store_scatter(lids, [pos], ids, mask=m)
    un = jnp.logical_not(m)
    has_un = plsc.all_reduce_population_count(un)[0] > 0
    f = plsc.all_reduce_ffs(un)[0]
    uid = jnp.where((uid < 0) & has_un, base_tok + j * L + f, uid)
    return (off + plsc.all_reduce_population_count(m)[0], uid)

  cnt, uid = lax.fori_loop(0, CHUNK // L, step,
                           (jnp.int32(0), jnp.int32(-1)))

  padid = jnp.where(uid < 0, base_tok, uid)
  cnt_pad = (cnt // L) * L + L
  plsc.store_scatter(
      lids, [cnt + iota], jnp.full((L,), 1, jnp.int32) * padid,
      mask=iota < (cnt_pad - cnt),
  )

  gbase = plsc.load_gather(bb, [jnp.full((L,), gw, jnp.int32)])[0]

  def scat(k, _):
    idv = lids[pl.ds(k * L, L)]
    off = pl.multiple_of(gbase + k * L, L)
    pltpu.async_copy(x_hbm.at[idv], rows, sem).wait()
    pltpu.sync_copy(rows, xc.at[pl.ds(off, L)])
    return 0

  lax.fori_loop(0, cnt_pad // L, scat, 0)


def _compact(w_flat, x, bases):
  mesh = plsc.VectorSubcoreMesh(core_axis_name="c", subcore_axis_name="s", num_cores=NC, num_subcores=NS)
  kern = pl.kernel(
      _compact_body,
      out_type=jax.ShapeDtypeStruct((NC * CAPC, HID), jnp.float32),
      mesh=mesh,
      scratch_types=[
          pltpu.VMEM((CHUNK,), jnp.float32),
          pltpu.VMEM((CHUNK + L,), jnp.int32),
          pltpu.VMEM((L, HID), jnp.float32),
          pltpu.VMEM((NW,), jnp.int32),
          pltpu.SemaphoreType.DMA,
      ],
      compiler_params=pltpu.CompilerParams(needs_layout_passes=False),
  )
  return kern(w_flat, x, bases)


def _mlp_body(cnt_ref, xc_ref, wr_ref, br_ref, w1_ref, b1_ref, w2_ref, b2_ref,
              yc_ref):
  r = pl.program_id(0)
  j = pl.program_id(1)
  cnt = cnt_ref[r]

  @pl.when(j * BT < cnt)
  def _():
    xb = xc_ref[...]
    logits = (
        jnp.dot(xb, wr_ref[...], preferred_element_type=jnp.float32)
        + br_ref[...]
    )
    wgt = _gate_weight(logits)
    h = jnp.maximum(
        jnp.dot(xb, w1_ref[...], preferred_element_type=jnp.float32)
        + b1_ref[...],
        0.0,
    )
    y = jnp.dot(h, w2_ref[...], preferred_element_type=jnp.float32) + b2_ref[...]
    yc_ref[...] = y * wgt


DUMP_BLK = (NC * CAPC) // BT


def _mlp(cnts, xc, wr, br2, w1, b12, w2, b22):
  def xmap(r, j, cnt_ref):
    nb = jnp.maximum(1, (cnt_ref[r] + BT - 1) // BT)
    jj = jnp.minimum(j, nb - 1)
    return (r * (CAPC // BT) + jj, 0)

  def omap(r, j, cnt_ref):
    nb = (cnt_ref[r] + BT - 1) // BT
    return (jnp.where(j < nb, r * (CAPC // BT) + jnp.minimum(j, nb - 1),
                      DUMP_BLK), 0)

  grid_spec = pltpu.PrefetchScalarGridSpec(
      num_scalar_prefetch=1,
      grid=(NC, NBLK),
      in_specs=[
          pl.BlockSpec((BT, HID), xmap),
          pl.BlockSpec((HID, NE), lambda r, j, c: (0, 0)),
          pl.BlockSpec((1, NE), lambda r, j, c: (0, 0)),
          pl.BlockSpec((HID, H2), lambda r, j, c: (0, 0)),
          pl.BlockSpec((1, H2), lambda r, j, c: (0, 0)),
          pl.BlockSpec((H2, HID), lambda r, j, c: (0, 0)),
          pl.BlockSpec((1, HID), lambda r, j, c: (0, 0)),
      ],
      out_specs=pl.BlockSpec((BT, HID), xmap),
  )
  return pl.pallas_call(
      _mlp_body,
      grid_spec=grid_spec,
      out_shape=jax.ShapeDtypeStruct((NC * CAPC + BT, HID), jnp.float32),
  )(cnts, xc, wr, br2, w1, b12, w2, b22)


ZROW = NC * CAPC


def _scatter_body(yc, w_hbm, bases_hbm, out, zbuf, mapb, wv, bb, rows, sem):
  cid = lax.axis_index("c")
  sid = lax.axis_index("s")
  gw = cid * NS + sid
  slab = gw * CHUNK
  iota = lax.iota(jnp.int32, L)

  pltpu.sync_copy(w_hbm.at[pl.ds(slab, CHUNK)], wv)
  pltpu.sync_copy(bases_hbm, bb)
  pltpu.sync_copy(yc.at[pl.ds(ZROW, L)], zbuf)

  gbase = plsc.load_gather(bb, [jnp.full((L,), gw, jnp.int32)])[0]
  GB = 128

  def cstep(j, off):
    v = wv[pl.ds(j * L, L)]
    return off + plsc.all_reduce_population_count(v > 0.0)[0]

  cnt = lax.fori_loop(0, CHUNK // L, cstep, jnp.int32(0))
  zbase = gbase + cnt
  npad = (cnt // L) * L + L - cnt

  def mstep(j, off):
    v = wv[pl.ds(j * L, L)]
    m = v > 0.0
    rank = off + plsc.cumsum(jnp.where(m, 1, 0).astype(jnp.int32)) - 1
    p = j * L + iota
    plsc.store_scatter(
        mapb, [p], jnp.where(m, gbase + rank, zbase + (p % npad)))
    return off + plsc.all_reduce_population_count(m)[0]

  lax.fori_loop(0, CHUNK // L, mstep, jnp.int32(0))

  def emit(g, _):
    off = pl.multiple_of(slab + g * GB, GB)
    pltpu.async_copy(yc.at[mapb.at[pl.ds(g * GB, GB)]], rows, sem).wait()
    pltpu.sync_copy(rows, out.at[pl.ds(off, GB)])
    return 0

  lax.fori_loop(0, CHUNK // GB, emit, 0)


def _scatter(yc, w_flat, bases):
  mesh = plsc.VectorSubcoreMesh(core_axis_name="c", subcore_axis_name="s", num_cores=NC, num_subcores=NS)
  kern = pl.kernel(
      _scatter_body,
      out_type=jax.ShapeDtypeStruct((T, HID), jnp.float32),
      mesh=mesh,
      scratch_types=[
          pltpu.VMEM((L, HID), jnp.float32),
          pltpu.VMEM((CHUNK,), jnp.int32),
          pltpu.VMEM((CHUNK,), jnp.float32),
          pltpu.VMEM((NW,), jnp.int32),
          pltpu.VMEM((128, HID), jnp.float32),
          pltpu.SemaphoreType.DMA,
      ],
      compiler_params=pltpu.CompilerParams(needs_layout_passes=False),
  )
  return kern(yc, w_flat, bases)


def kernel(x, Wr, br, W1, b1, W2, b2):
  br2 = br.reshape(1, NE)
  b12 = b1.reshape(1, H2)
  b22 = b2.reshape(1, HID)
  w, blkcnt = _router(x, Wr, br2)
  w_flat = w.reshape(T)
  tilecnt = blkcnt.reshape(NW, (T // BR) // NW).sum(axis=1).astype(jnp.int32)
  cpad = (tilecnt // L) * L + L
  cp2 = cpad.reshape(NC, NS)
  ex = jnp.cumsum(cp2, axis=1) - cp2
  bases = (jnp.arange(NC, dtype=jnp.int32)[:, None] * CAPC + ex).reshape(NW)
  cnts = cp2.sum(axis=1)
  xc = _compact(w_flat, x, bases)
  yc = _mlp(cnts, xc, Wr, br2, W1, b12, W2, b22)
  return _scatter(yc, w_flat, bases)

# --- scband reference (transcript-rebuilt; emitter-appended) ---
"""Pipeline reference for scband-mo-elayer-11003706212927 (READ-ONLY COPY).

The authoritative reference and input builder live on the scoring server;
editing this copy changes nothing except your own understanding.
"""

import jax, jax.numpy as jnp
import numpy as np

HID = 768
NE = 64
TOPK = 2
T = 32768


def setup_inputs(seed: int = 0) -> dict:
    key = jax.random.key(seed)
    ks = jax.random.split(key, 6)
    x = jax.random.normal(ks[0], (T, HID), dtype=jnp.float32)
    # Router (nn.Linear(hidden_dim, num_experts)), stored transposed for x @ Wr
    Wr = jax.random.normal(ks[1], (HID, NE), dtype=jnp.float32) * (1.0 / np.sqrt(HID))
    br = jnp.zeros((NE,), dtype=jnp.float32)
    # Only expert NE-1 is ever used by the original forward (Python loop-scoping bug:
    # the expert computation sits AFTER the for-loop, so it uses the last expert_idx
    # and last expert_mask). We materialize only that expert's weights.
    W1 = jax.random.normal(ks[2], (HID, 2 * HID), dtype=jnp.float32) * (1.0 / np.sqrt(HID))
    b1 = jnp.zeros((2 * HID,), dtype=jnp.float32)
    W2 = jax.random.normal(ks[3], (2 * HID, HID), dtype=jnp.float32) * (1.0 / np.sqrt(2 * HID))
    b2 = jnp.zeros((HID,), dtype=jnp.float32)
    return {"x": x, "Wr": Wr, "br": br, "W1": W1, "b1": b1, "W2": W2, "b2": b2}


def reference(x, Wr, br, W1, b1, W2, b2):
    # Router
    router_logits = x @ Wr + br
    router_probs = jax.nn.softmax(router_logits, axis=-1)
    top_k_probs, top_k_indices = jax.lax.top_k(router_probs, TOPK)
    top_k_probs = top_k_probs / jnp.sum(top_k_probs, axis=-1, keepdims=True)
    # Original torch code only applies expert (NE-1) to tokens whose top-k set
    # contains it; all other output rows stay zero. Math-equivalent dense form:
    # weight is exactly 0 for tokens that did not route to expert NE-1.
    last = NE - 1
    positions = (top_k_indices == last).astype(x.dtype)
    expert_weight = jnp.sum(top_k_probs * positions, axis=-1, keepdims=True)
    h = jnp.maximum(x @ W1 + b1, 0.0)
    expert_output = h @ W2 + b2
    output = expert_output * expert_weight
    return output

if __name__ == "__main__":
    import jax
    _d = setup_inputs()
    print(jax.jit(kernel)(*tuple(_d.values())))

</pallas_src>

<mosaic_0001>
#map = affine_map<(d0, d1) -> (0, 0)>
#map1 = affine_map<(d0, d1) -> (0)>
module attributes {stable_mosaic.version = 14 : i64} {
  func.func @_scatter_body(%arg0: i32, %arg1: i32, %arg2: memref<33536x768xf32, #tpu.memory_space<hbm>>, %arg3: memref<32768xf32, #tpu.memory_space<hbm>>, %arg4: memref<32xi32, #tpu.memory_space<hbm>>, %arg5: memref<32768x768xf32, #tpu.memory_space<hbm>>, %arg6: memref<16x768xf32, #tpu.memory_space<vmem>>, %arg7: memref<1024xi32, #tpu.memory_space<vmem>>, %arg8: memref<1024xf32, #tpu.memory_space<vmem>>, %arg9: memref<32xi32, #tpu.memory_space<vmem>>, %arg10: memref<128x768xf32, #tpu.memory_space<vmem>>, %arg11: memref<!tpu.dma_semaphore, #tpu.memory_space<semaphore_mem>>) attributes {dimension_semantics = [#tpu.dimension_semantics<core_parallel>, #tpu.dimension_semantics<subcore_parallel>], iteration_bounds = array<i64: 2, 16>, scalar_prefetch = 0 : i64, scratch_operands = 6 : i64, tpu.core_type = #tpu.core_type<sc_vector_subcore>, window_params = [{transform_indices = #map}, {transform_indices = #map1}, {transform_indices = #map1}, {transform_indices = #map}]} {
    %mul3A = arith.constant 16 : i32
    %mul3A_0 = arith.muli %arg0, %mul3A : i32
    %add3A = arith.addi %mul3A_0, %arg1 : i32
    %mul3A_1 = arith.constant 1024 : i32
    %mul3A_2 = arith.muli %add3A, %mul3A_1 : i32
    %iota3A = tpu.iota {dimensions = array<i32: 0>} : vector<16xi32>
    "tpu.region"() ({
      %run_scoped3A = tpu.sem_alloc : memref<!tpu.dma_semaphore, #tpu.memory_space<semaphore_mem>>
      %dma_start3A = tpu.memref_slice %arg3[%mul3A_2] : memref<32768xf32, #tpu.memory_space<hbm>> -> memref<1024xf32, #tpu.memory_space<hbm>>
      %dma_start3A_45 = tpu.memref_slice %arg3[%mul3A_2] : memref<32768xf32, #tpu.memory_space<hbm>> -> memref<1024xf32, #tpu.memory_space<hbm>>
      tpu.enqueue_dma source(%dma_start3A_45 : memref<1024xf32, #tpu.memory_space<hbm>>) target(%arg8 : memref<1024xf32, #tpu.memory_space<vmem>>) target_semaphore(%run_scoped3A : memref<!tpu.dma_semaphore, #tpu.memory_space<semaphore_mem>>)
      %dma_wait3A = tpu.memref_slice %arg3[%mul3A_2] : memref<32768xf32, #tpu.memory_space<hbm>> -> memref<1024xf32, #tpu.memory_space<hbm>>
      %dma_wait3A_46 = tpu.memref_slice %arg3[%mul3A_2] : memref<32768xf32, #tpu.memory_space<hbm>> -> memref<1024xf32, #tpu.memory_space<hbm>>
      tpu.wait_dma2 semaphore(%run_scoped3A : memref<!tpu.dma_semaphore, #tpu.memory_space<semaphore_mem>>) src(%dma_wait3A_46 : memref<1024xf32, #tpu.memory_space<hbm>>) dst(%arg8 : memref<1024xf32, #tpu.memory_space<vmem>>)
      tpu.yield
    }) : () -> ()
    "tpu.region"() ({
      %run_scoped3A = tpu.sem_alloc : memref<!tpu.dma_semaphore, #tpu.memory_space<semaphore_mem>>
      tpu.enqueue_dma source(%arg4 : memref<32xi32, #tpu.memory_space<hbm>>) target(%arg9 : memref<32xi32, #tpu.memory_space<vmem>>) target_semaphore(%run_scoped3A : memref<!tpu.dma_semaphore, #tpu.memory_space<semaphore_mem>>)
      tpu.wait_dma2 semaphore(%run_scoped3A : memref<!tpu.dma_semaphore, #tpu.memory_space<semaphore_mem>>) src(%arg4 : memref<32xi32, #tpu.memory_space<hbm>>) dst(%arg9 : memref<32xi32, #tpu.memory_space<vmem>>)
      tpu.yield
    }) : () -> ()
    "tpu.region"() ({
      %run_scoped3A = tpu.sem_alloc : memref<!tpu.dma_semaphore, #tpu.memory_space<semaphore_mem>>
      %dma_start3A = arith.constant 33280 : i32
      %dma_start3A_45 = arith.constant 0 : i32
      %dma_start3A_46 = tpu.memref_slice %arg2[%dma_start3A, %dma_start3A_45] : memref<33536x768xf32, #tpu.memory_space<hbm>> -> memref<16x768xf32, #tpu.memory_space<hbm>>
      %dma_start3A_47 = arith.constant 33280 : i32
      %dma_start3A_48 = arith.constant 0 : i32
      %dma_start3A_49 = tpu.memref_slice %arg2[%dma_start3A_47, %dma_start3A_48] : memref<33536x768xf32, #tpu.memory_space<hbm>> -> memref<16x768xf32, #tpu.memory_space<hbm>>
      tpu.enqueue_dma source(%dma_start3A_49 : memref<16x768xf32, #tpu.memory_space<hbm>>) target(%arg6 : memref<16x768xf32, #tpu.memory_space<vmem>>) target_semaphore(%run_scoped3A : memref<!tpu.dma_semaphore, #tpu.memory_space<semaphore_mem>>)
      %dma_wait3A = arith.constant 33280 : i32
      %dma_wait3A_50 = arith.constant 0 : i32
      %dma_wait3A_51 = tpu.memref_slice %arg2[%dma_wait3A, %dma_wait3A_50] : memref<33536x768xf32, #tpu.memory_space<hbm>> -> memref<16x768xf32, #tpu.memory_space<hbm>>
      %dma_wait3A_52 = arith.constant 33280 : i32
      %dma_wait3A_53 = arith.constant 0 : i32
      %dma_wait3A_54 = tpu.memref_slice %arg2[%dma_wait3A_52, %dma_wait3A_53] : memref<33536x768xf32, #tpu.memory_space<hbm>> -> memref<16x768xf32, #tpu.memory_space<hbm>>
      tpu.wait_dma2 semaphore(%run_scoped3A : memref<!tpu.dma_semaphore, #tpu.memory_space<semaphore_mem>>) src(%dma_wait3A_54 : memref<16x768xf32, #tpu.memory_space<hbm>>) dst(%arg6 : memref<16x768xf32, #tpu.memory_space<vmem>>)
      tpu.yield
    }) : () -> ()
    %broadcast_in_dim3A = vector.broadcast %add3A : i32 to vector<16xi32>
    %gather3A = tpu.vector_load_idx %arg9[%broadcast_in_dim3A] : memref<32xi32, #tpu.memory_space<vmem>>[vector<16xi32>], vector<16xi32>,
    %slice3A = vector.extract_strided_slice %gather3A {offsets = [0], sizes = [1], strides = [1]} : vector<16xi32> to vector<1xi32>
    %squeeze3A = vector.extract %slice3A[0] : i32 from vector<1xi32>
    %scan3A = arith.constant 0 : i32
    %scan3A_3 = arith.constant 0 : i32
    %scan3A_4 = arith.constant 64 : i32
    %scan3A_5 = arith.addi %scan3A_3, %scan3A_4 : i32
    %scan3A_6 = arith.constant 1 : i32
    %scan3A_7 = scf.for %scan3A_45 = %scan3A_3 to %scan3A_5 step %scan3A_6 iter_args(%scan3A_46 = %scan3A) -> (i32)  : i32 {
      %mul3A_47 = arith.constant 16 : i32
      %mul3A_48 = arith.muli %scan3A_45, %mul3A_47 : i32
      %get3A = arith.index_cast %mul3A_48 : i32 to index
      %get3A_49 = tpu.vector_load %arg8[%get3A] {strides = array<i32>} : memref<1024xf32, #tpu.memory_space<vmem>>, vector<16xf32>,
      %gt3A = arith.constant 0.000000e+00 : f32
      %gt3A_50 = vector.broadcast %gt3A : f32 to vector<16xf32>
      %gt3A_51 = arith.cmpf ogt, %get3A_49, %gt3A_50 : vector<16xf32>
      %all_reduce_population_count3A = tpu.all_reduce %gt3A_51 {dim = 0 : i64, kind = #tpu.reduction_kind<sum>} : vector<16xi1> -> vector<16xi32>
      %slice3A_52 = vector.extract_strided_slice %all_reduce_population_count3A {offsets = [0], sizes = [1], strides = [1]} : vector<16xi32> to vector<1xi32>
      %squeeze3A_53 = vector.extract %slice3A_52[0] : i32 from vector<1xi32>
      %add3A_54 = arith.addi %scan3A_46, %squeeze3A_53 : i32
      scf.yield %add3A_54 : i32
    }
    %scan3A_8 = arith.constant 64 : i32
    %add3A_9 = arith.addi %squeeze3A, %scan3A_7 : i32
    %jit3A = arith.constant 16 : i32
    %div3A = arith.divsi %scan3A_7, %jit3A : i32
    %sign3A = arith.constant 0 : i32
    %sign3A_10 = arith.cmpi sgt, %scan3A_7, %sign3A : i32
    %sign3A_11 = arith.extui %sign3A_10 : i1 to i32
    %sign3A_12 = arith.constant 0 : i32
    %sign3A_13 = arith.cmpi slt, %scan3A_7, %sign3A_12 : i32
    %sign3A_14 = arith.extui %sign3A_13 : i1 to i32
    %sign3A_15 = arith.subi %sign3A_11, %sign3A_14 : i32
    %sign3A_16 = arith.constant 0 : i32
    %sign3A_17 = arith.cmpi sgt, %jit3A, %sign3A_16 : i32
    %sign3A_18 = arith.extui %sign3A_17 : i1 to i32
    %sign3A_19 = arith.constant 0 : i32
    %sign3A_20 = arith.cmpi slt, %jit3A, %sign3A_19 : i32
    %sign3A_21 = arith.extui %sign3A_20 : i1 to i32
    %sign3A_22 = arith.subi %sign3A_18, %sign3A_21 : i32
    %ne3A = arith.cmpi ne, %sign3A_15, %sign3A_22 : i32
    %rem3A = arith.remsi %scan3A_7, %jit3A : i32
    %ne3A_23 = arith.constant 0 : i32
    %ne3A_24 = arith.cmpi ne, %rem3A, %ne3A_23 : i32
    %and3A = arith.andi %ne3A, %ne3A_24 : i1
    %sub3A = arith.constant 1 : i32
    %sub3A_25 = arith.subi %div3A, %sub3A : i32
    %select_n3A = arith.select %and3A, %sub3A_25, %div3A : i32
    %mul3A_26 = arith.constant 16 : i32
    %mul3A_27 = arith.muli %select_n3A, %mul3A_26 : i32
    %add3A_28 = arith.constant 16 : i32
    %add3A_29 = arith.addi %mul3A_27, %add3A_28 : i32
    %sub3A_30 = arith.subi %add3A_29, %scan3A_7 : i32
    %scan3A_31 = arith.constant 0 : i32
    %scan3A_32 = arith.constant 0 : i32
    %scan3A_33 = arith.constant 64 : i32
    %scan3A_34 = arith.addi %scan3A_32, %scan3A_33 : i32
    %scan3A_35 = arith.constant 1 : i32
    %scan3A_36 = scf.for %scan3A_45 = %scan3A_32 to %scan3A_34 step %scan3A_35 iter_args(%scan3A_46 = %scan3A_31) -> (i32)  : i32 {
      %mul3A_47 = arith.constant 16 : i32
      %mul3A_48 = arith.muli %scan3A_45, %mul3A_47 : i32
      %get3A = arith.index_cast %mul3A_48 : i32 to index
      %get3A_49 = tpu.vector_load %arg8[%get3A] {strides = array<i32>} : memref<1024xf32, #tpu.memory_space<vmem>>, vector<16xf32>,
      %gt3A = arith.constant 0.000000e+00 : f32
      %gt3A_50 = vector.broadcast %gt3A : f32 to vector<16xf32>
      %gt3A_51 = arith.cmpf ogt, %get3A_49, %gt3A_50 : vector<16xf32>
      %jit3A_52 = arith.constant 1 : i32
      %jit3A_53 = arith.constant 0 : i32
      %broadcast_in_dim3A_54 = vector.broadcast %jit3A_52 : i32 to vector<16xi32>
      %broadcast_in_dim3A_55 = vector.broadcast %jit3A_53 : i32 to vector<16xi32>
      %select_n3A_56 = arith.select %gt3A_51, %broadcast_in_dim3A_54, %broadcast_in_dim3A_55 : vector<16xi1>, vector<16xi32>
      %broadcast_in_dim3A_57 = arith.constant true
      %broadcast_in_dim3A_58 = vector.broadcast %broadcast_in_dim3A_57 : i1 to vector<16xi1>
      %masked_cumsum3A = tpu.scan <sum>, %select_n3A_56 masked %broadcast_in_dim3A_58 : vector<16xi32>, vector<16xi1> -> vector<16xi32>
      %add3A_59 = vector.broadcast %scan3A_46 : i32 to vector<16xi32>
      %add3A_60 = arith.addi %add3A_59, %masked_cumsum3A : vector<16xi32>
      %sub3A_61 = arith.constant 1 : i32
      %sub3A_62 = vector.broadcast %sub3A_61 : i32 to vector<16xi32>
      %sub3A_63 = arith.subi %add3A_60, %sub3A_62 : vector<16xi32>
      %mul3A_64 = arith.constant 16 : i32
      %mul3A_65 = arith.muli %scan3A_45, %mul3A_64 : i32
      %add3A_66 = vector.broadcast %mul3A_65 : i32 to vector<16xi32>
      %add3A_67 = arith.addi %add3A_66, %iota3A : vector<16xi32>
      %add3A_68 = vector.broadcast %squeeze3A : i32 to vector<16xi32>
      %add3A_69 = arith.addi %add3A_68, %sub3A_63 : vector<16xi32>
      %eq3A = arith.constant 0 : i32
      %eq3A_70 = arith.cmpi eq, %sub3A_30, %eq3A : i32
      %jit3A_71 = arith.constant 1 : i32
      %select_n3A_72 = arith.select %eq3A_70, %jit3A_71, %sub3A_30 : i32
      %rem3A_73 = vector.broadcast %select_n3A_72 : i32 to vector<16xi32>
      %rem3A_74 = arith.remsi %add3A_67, %rem3A_73 : vector<16xi32>
      %ne3A_75 = arith.constant 0 : i32
      %ne3A_76 = vector.broadcast %ne3A_75 : i32 to vector<16xi32>
      %ne3A_77 = arith.cmpi ne, %rem3A_74, %ne3A_76 : vector<16xi32>
      %lt3A = arith.constant 0 : i32
      %lt3A_78 = vector.broadcast %lt3A : i32 to vector<16xi32>
      %lt3A_79 = arith.cmpi slt, %rem3A_74, %lt3A_78 : vector<16xi32>
      %lt3A_80 = arith.constant 0 : i32
      %lt3A_81 = arith.cmpi slt, %select_n3A_72, %lt3A_80 : i32
      %ne3A_82 = vector.broadcast %lt3A_81 : i1 to vector<16xi1>
      %ne3A_83 = vector.broadcast %ne3A_82 : vector<16xi1> to vector<16xi1>
      %ne3A_84 = arith.xori %lt3A_79, %ne3A_83 : vector<16xi1>
      %and3A_85 = arith.andi %ne3A_84, %ne3A_77 : vector<16xi1>
      %add3A_86 = vector.broadcast %select_n3A_72 : i32 to vector<16xi32>
      %add3A_87 = arith.addi %rem3A_74, %add3A_86 : vector<16xi32>
      %select_n3A_88 = arith.select %and3A_85, %add3A_87, %rem3A_74 : vector<16xi1>, vector<16xi32>
      %add3A_89 = vector.broadcast %add3A_9 : i32 to vector<16xi32>
      %add3A_90 = arith.addi %add3A_89, %select_n3A_88 : vector<16xi32>
      %select_n3A_91 = arith.select %gt3A_51, %add3A_69, %add3A_90 : vector<16xi1>, vector<16xi32>
      tpu.vector_store_idx %arg7[%add3A_67], %select_n3A_91 : memref<1024xi32, #tpu.memory_space<vmem>>[vector<16xi32>], vector<16xi32>,
      %all_reduce_population_count3A = tpu.all_reduce %gt3A_51 {dim = 0 : i64, kind = #tpu.reduction_kind<sum>} : vector<16xi1> -> vector<16xi32>
      %slice3A_92 = vector.extract_strided_slice %all_reduce_population_count3A {offsets = [0], sizes = [1], strides = [1]} : vector<16xi32> to vector<1xi32>
      %squeeze3A_93 = vector.extract %slice3A_92[0] : i32 from vector<1xi32>
      %add3A_94 = arith.addi %scan3A_46, %squeeze3A_93 : i32
      scf.yield %add3A_94 : i32
    }
    %scan3A_37 = arith.constant 64 : i32
    %scan3A_38 = arith.constant 0 : i32
    %scan3A_39 = arith.constant 0 : i32
    %scan3A_40 = arith.constant 8 : i32
    %scan3A_41 = arith.addi %scan3A_39, %scan3A_40 : i32
    %scan3A_42 = arith.constant 1 : i32
    %scan3A_43 = scf.for %scan3A_45 = %scan3A_39 to %scan3A_41 step %scan3A_42 iter_args(%scan3A_46 = %scan3A_38) -> (i32)  : i32 {
      %mul3A_47 = arith.constant 128 : i32
      %mul3A_48 = arith.muli %scan3A_45, %mul3A_47 : i32
      %add3A_49 = arith.addi %mul3A_2, %mul3A_48 : i32
      %multiple_of3A = tpu.assume_multiple %add3A_49, 128 : i32
      %mul3A_50 = arith.constant 128 : i32
      %mul3A_51 = arith.muli %scan3A_45, %mul3A_50 : i32
      %dma_start3A = tpu.memref_slice %arg7[%mul3A_51] : memref<1024xi32, #tpu.memory_space<vmem>> -> memref<128xi32, #tpu.memory_space<vmem>>
      %dma_start3A_52 = arith.constant 0 : i32
      %dma_start3A_53 = arith.constant 0 : i32
      %dma_start3A_54 = tpu.memref_slice %arg2[%dma_start3A_52, %dma_start3A_53] : memref<33536x768xf32, #tpu.memory_space<hbm>> -> memref<33536x768xf32, #tpu.memory_space<hbm>>
      tpu.enqueue_indirect_dma source(%dma_start3A_54 : memref<33536x768xf32, #tpu.memory_space<hbm>>) target(%arg10 : memref<128x768xf32, #tpu.memory_space<vmem>>) offsets(%dma_start3A : memref<128xi32, #tpu.memory_space<vmem>>) semaphore(%arg11 : memref<!tpu.dma_semaphore, #tpu.memory_space<semaphore_mem>>)
      %dma_wait3A = tpu.memref_slice %arg7[%mul3A_51] : memref<1024xi32, #tpu.memory_space<vmem>> -> memref<128xi32, #tpu.memory_space<vmem>>
      %dma_wait3A_55 = arith.constant 0 : i32
      %dma_wait3A_56 = arith.constant 0 : i32
      %dma_wait3A_57 = tpu.memref_slice %arg2[%dma_wait3A_55, %dma_wait3A_56] : memref<33536x768xf32, #tpu.memory_space<hbm>> -> memref<33536x768xf32, #tpu.memory_space<hbm>>
      tpu.wait_indirect_dma semaphore(%arg11 : memref<!tpu.dma_semaphore, #tpu.memory_space<semaphore_mem>>) src(%dma_wait3A_57 : memref<33536x768xf32, #tpu.memory_space<hbm>>) dst(%arg10 : memref<128x768xf32, #tpu.memory_space<vmem>>)
      "tpu.region"() ({
        %run_scoped3A = tpu.sem_alloc : memref<!tpu.dma_semaphore, #tpu.memory_space<semaphore_mem>>
        %dma_start3A_59 = arith.constant 0 : i32
        %dma_start3A_60 = tpu.memref_slice %arg5[%multiple_of3A, %dma_start3A_59] : memref<32768x768xf32, #tpu.memory_space<hbm>> -> memref<128x768xf32, #tpu.memory_space<hbm>>
        %dma_start3A_61 = arith.constant 0 : i32
        %dma_start3A_62 = tpu.memref_slice %arg5[%multiple_of3A, %dma_start3A_61] : memref<32768x768xf32, #tpu.memory_space<hbm>> -> memref<128x768xf32, #tpu.memory_space<hbm>>
        tpu.enqueue_dma source(%arg10 : memref<128x768xf32, #tpu.memory_space<vmem>>) target(%dma_start3A_62 : memref<128x768xf32, #tpu.memory_space<hbm>>) target_semaphore(%run_scoped3A : memref<!tpu.dma_semaphore, #tpu.memory_space<semaphore_mem>>)
        %dma_wait3A_63 = arith.constant 0 : i32
        %dma_wait3A_64 = tpu.memref_slice %arg5[%multiple_of3A, %dma_wait3A_63] : memref<32768x768xf32, #tpu.memory_space<hbm>> -> memref<128x768xf32, #tpu.memory_space<hbm>>
        %dma_wait3A_65 = arith.constant 0 : i32
        %dma_wait3A_66 = tpu.memref_slice %arg5[%multiple_of3A, %dma_wait3A_65] : memref<32768x768xf32, #tpu.memory_space<hbm>> -> memref<128x768xf32, #tpu.memory_space<hbm>>
        tpu.wait_dma2 semaphore(%run_scoped3A : memref<!tpu.dma_semaphore, #tpu.memory_space<semaphore_mem>>) src(%arg10 : memref<128x768xf32, #tpu.memory_space<vmem>>) dst(%dma_wait3A_66 : memref<128x768xf32, #tpu.memory_space<hbm>>)
        tpu.yield
      }) : () -> ()
      %scan3A_58 = arith.constant 0 : i32
      scf.yield %scan3A_58 : i32
    }
    %scan3A_44 = arith.constant 8 : i32
    return
  }
}

#map = affine_map<(d0, d1) -> (0)>
#map1 = affine_map<(d0, d1) -> (0, 0)>
module attributes {stable_mosaic.version = 14 : i64} {
  func.func @_compact_body(%arg0: i32, %arg1: i32, %arg2: memref<32768xf32, #tpu.memory_space<hbm>>, %arg3: memref<32768x768xf32, #tpu.memory_space<hbm>>, %arg4: memref<32xi32, #tpu.memory_space<hbm>>, %arg5: memref<33280x768xf32, #tpu.memory_space<hbm>>, %arg6: memref<1024xf32, #tpu.memory_space<vmem>>, %arg7: memref<1040xi32, #tpu.memory_space<vmem>>, %arg8: memref<16x768xf32, #tpu.memory_space<vmem>>, %arg9: memref<32xi32, #tpu.memory_space<vmem>>, %arg10: memref<!tpu.dma_semaphore, #tpu.memory_space<semaphore_mem>>) attributes {dimension_semantics = [#tpu.dimension_semantics<core_parallel>, #tpu.dimension_semantics<subcore_parallel>], iteration_bounds = array<i64: 2, 16>, scalar_prefetch = 0 : i64, scratch_operands = 5 : i64, tpu.core_type = #tpu.core_type<sc_vector_subcore>, window_params = [{transform_indices = #map}, {transform_indices = #map1}, {transform_indices = #map}, {transform_indices = #map1}]} {
    %mul3A = arith.constant 16 : i32
    %mul3A_0 = arith.muli %arg0, %mul3A : i32
    %add3A = arith.addi %mul3A_0, %arg1 : i32
    %mul3A_1 = arith.constant 1024 : i32
    %mul3A_2 = arith.muli %add3A, %mul3A_1 : i32
    "tpu.region"() ({
      %run_scoped3A = tpu.sem_alloc : memref<!tpu.dma_semaphore, #tpu.memory_space<semaphore_mem>>
      %dma_start3A = tpu.memref_slice %arg2[%mul3A_2] : memref<32768xf32, #tpu.memory_space<hbm>> -> memref<1024xf32, #tpu.memory_space<hbm>>
      %dma_start3A_76 = tpu.memref_slice %arg2[%mul3A_2] : memref<32768xf32, #tpu.memory_space<hbm>> -> memref<1024xf32, #tpu.memory_space<hbm>>
      tpu.enqueue_dma source(%dma_start3A_76 : memref<1024xf32, #tpu.memory_space<hbm>>) target(%arg6 : memref<1024xf32, #tpu.memory_space<vmem>>) target_semaphore(%run_scoped3A : memref<!tpu.dma_semaphore, #tpu.memory_space<semaphore_mem>>)
      %dma_wait3A = tpu.memref_slice %arg2[%mul3A_2] : memref<32768xf32, #tpu.memory_space<hbm>> -> memref<1024xf32, #tpu.memory_space<hbm>>
      %dma_wait3A_77 = tpu.memref_slice %arg2[%mul3A_2] : memref<32768xf32, #tpu.memory_space<hbm>> -> memref<1024xf32, #tpu.memory_space<hbm>>
      tpu.wait_dma2 semaphore(%run_scoped3A : memref<!tpu.dma_semaphore, #tpu.memory_space<semaphore_mem>>) src(%dma_wait3A_77 : memref<1024xf32, #tpu.memory_space<hbm>>) dst(%arg6 : memref<1024xf32, #tpu.memory_space<vmem>>)
      tpu.yield
    }) : () -> ()
    "tpu.region"() ({
      %run_scoped3A = tpu.sem_alloc : memref<!tpu.dma_semaphore, #tpu.memory_space<semaphore_mem>>
      tpu.enqueue_dma source(%arg4 : memref<32xi32, #tpu.memory_space<hbm>>) target(%arg9 : memref<32xi32, #tpu.memory_space<vmem>>) target_semaphore(%run_scoped3A : memref<!tpu.dma_semaphore, #tpu.memory_space<semaphore_mem>>)
      tpu.wait_dma2 semaphore(%run_scoped3A : memref<!tpu.dma_semaphore, #tpu.memory_space<semaphore_mem>>) src(%arg4 : memref<32xi32, #tpu.memory_space<hbm>>) dst(%arg9 : memref<32xi32, #tpu.memory_space<vmem>>)
      tpu.yield
    }) : () -> ()
    %iota3A = tpu.iota {dimensions = array<i32: 0>} : vector<16xi32>
    %scan3A = arith.constant 0 : i32
    %scan3A_3 = arith.constant -1 : i32
    %scan3A_4 = arith.constant 0 : i32
    %scan3A_5 = arith.constant 64 : i32
    %scan3A_6 = arith.addi %scan3A_4, %scan3A_5 : i32
    %scan3A_7 = arith.constant 1 : i32
    %scan3A_8:2 = scf.for %scan3A_76 = %scan3A_4 to %scan3A_6 step %scan3A_7 iter_args(%scan3A_77 = %scan3A, %scan3A_78 = %scan3A_3) -> (i32, i32)  : i32 {
      %mul3A_79 = arith.constant 16 : i32
      %mul3A_80 = arith.muli %scan3A_76, %mul3A_79 : i32
      %get3A = arith.index_cast %mul3A_80 : i32 to index
      %get3A_81 = tpu.vector_load %arg6[%get3A] {strides = array<i32>} : memref<1024xf32, #tpu.memory_space<vmem>>, vector<16xf32>,
      %gt3A = arith.constant 0.000000e+00 : f32
      %gt3A_82 = vector.broadcast %gt3A : f32 to vector<16xf32>
      %gt3A_83 = arith.cmpf ogt, %get3A_81, %gt3A_82 : vector<16xf32>
      %mul3A_84 = arith.constant 16 : i32
      %mul3A_85 = arith.muli %scan3A_76, %mul3A_84 : i32
      %add3A_86 = arith.addi %mul3A_2, %mul3A_85 : i32
      %add3A_87 = vector.broadcast %add3A_86 : i32 to vector<16xi32>
      %add3A_88 = arith.addi %add3A_87, %iota3A : vector<16xi32>
      %jit3A_89 = arith.constant 1 : i32
      %jit3A_90 = arith.constant 0 : i32
      %broadcast_in_dim3A_91 = vector.broadcast %jit3A_89 : i32 to vector<16xi32>
      %broadcast_in_dim3A_92 = vector.broadcast %jit3A_90 : i32 to vector<16xi32>
      %select_n3A_93 = arith.select %gt3A_83, %broadcast_in_dim3A_91, %broadcast_in_dim3A_92 : vector<16xi1>, vector<16xi32>
      %broadcast_in_dim3A_94 = arith.constant true
      %broadcast_in_dim3A_95 = vector.broadcast %broadcast_in_dim3A_94 : i1 to vector<16xi1>
      %masked_cumsum3A = tpu.scan <sum>, %select_n3A_93 masked %broadcast_in_dim3A_95 : vector<16xi32>, vector<16xi1> -> vector<16xi32>
      %add3A_96 = vector.broadcast %scan3A_77 : i32 to vector<16xi32>
      %add3A_97 = arith.addi %add3A_96, %masked_cumsum3A : vector<16xi32>
      %sub3A_98 = arith.constant 1 : i32
      %sub3A_99 = vector.broadcast %sub3A_98 : i32 to vector<16xi32>
      %sub3A_100 = arith.subi %add3A_97, %sub3A_99 : vector<16xi32>
      tpu.vector_store_idx %arg7[%sub3A_100], %add3A_88 masked %gt3A_83 : memref<1040xi32, #tpu.memory_space<vmem>>[vector<16xi32>], vector<16xi32>, vector<16xi1>
      %not3A = arith.constant dense<true> : vector<16xi1>
      %not3A_101 = arith.xori %gt3A_83, %not3A : vector<16xi1>
      %all_reduce_population_count3A = tpu.all_reduce %not3A_101 {dim = 0 : i64, kind = #tpu.reduction_kind<sum>} : vector<16xi1> -> vector<16xi32>
      %slice3A_102 = vector.extract_strided_slice %all_reduce_population_count3A {offsets = [0], sizes = [1], strides = [1]} : vector<16xi32> to vector<1xi32>
      %squeeze3A_103 = vector.extract %slice3A_102[0] : i32 from vector<1xi32>
      %gt3A_104 = arith.constant 0 : i32
      %gt3A_105 = arith.cmpi sgt, %squeeze3A_103, %gt3A_104 : i32
      %all_reduce_ffs3A = tpu.all_reduce %not3A_101 {dim = 0 : i64, kind = #tpu.reduction_kind<find_first_set>} : vector<16xi1> -> vector<16xi32>
      %slice3A_106 = vector.extract_strided_slice %all_reduce_ffs3A {offsets = [0], sizes = [1], strides = [1]} : vector<16xi32> to vector<1xi32>
      %squeeze3A_107 = vector.extract %slice3A_106[0] : i32 from vector<1xi32>
      %lt3A_108 = arith.constant 0 : i32
      %lt3A_109 = arith.cmpi slt, %scan3A_78, %lt3A_108 : i32
      %and3A_110 = arith.andi %lt3A_109, %gt3A_105 : i1
      %mul3A_111 = arith.constant 16 : i32
      %mul3A_112 = arith.muli %scan3A_76, %mul3A_111 : i32
      %add3A_113 = arith.addi %mul3A_2, %mul3A_112 : i32
      %add3A_114 = arith.addi %add3A_113, %squeeze3A_107 : i32
      %select_n3A_115 = arith.select %and3A_110, %add3A_114, %scan3A_78 : i32
      %all_reduce_population_count3A_116 = tpu.all_reduce %gt3A_83 {dim = 0 : i64, kind = #tpu.reduction_kind<sum>} : vector<16xi1> -> vector<16xi32>
      %slice3A_117 = vector.extract_strided_slice %all_reduce_population_count3A_116 {offsets = [0], sizes = [1], strides = [1]} : vector<16xi32> to vector<1xi32>
      %squeeze3A_118 = vector.extract %slice3A_117[0] : i32 from vector<1xi32>
      %add3A_119 = arith.addi %scan3A_77, %squeeze3A_118 : i32
      scf.yield %add3A_119, %select_n3A_115 : i32, i32
    }
    %scan3A_9 = arith.constant 64 : i32
    %lt3A = arith.constant 0 : i32
    %lt3A_10 = arith.cmpi slt, %scan3A_8#1, %lt3A : i32
    %select_n3A = arith.select %lt3A_10, %mul3A_2, %scan3A_8#1 : i32
    %jit3A = arith.constant 16 : i32
    %div3A = arith.divsi %scan3A_8#0, %jit3A : i32
    %sign3A = arith.constant 0 : i32
    %sign3A_11 = arith.cmpi sgt, %scan3A_8#0, %sign3A : i32
    %sign3A_12 = arith.extui %sign3A_11 : i1 to i32
    %sign3A_13 = arith.constant 0 : i32
    %sign3A_14 = arith.cmpi slt, %scan3A_8#0, %sign3A_13 : i32
    %sign3A_15 = arith.extui %sign3A_14 : i1 to i32
    %sign3A_16 = arith.subi %sign3A_12, %sign3A_15 : i32
    %sign3A_17 = arith.constant 0 : i32
    %sign3A_18 = arith.cmpi sgt, %jit3A, %sign3A_17 : i32
    %sign3A_19 = arith.extui %sign3A_18 : i1 to i32
    %sign3A_20 = arith.constant 0 : i32
    %sign3A_21 = arith.cmpi slt, %jit3A, %sign3A_20 : i32
    %sign3A_22 = arith.extui %sign3A_21 : i1 to i32
    %sign3A_23 = arith.subi %sign3A_19, %sign3A_22 : i32
    %ne3A = arith.cmpi ne, %sign3A_16, %sign3A_23 : i32
    %rem3A = arith.remsi %scan3A_8#0, %jit3A : i32
    %ne3A_24 = arith.constant 0 : i32
    %ne3A_25 = arith.cmpi ne, %rem3A, %ne3A_24 : i32
    %and3A = arith.andi %ne3A, %ne3A_25 : i1
    %sub3A = arith.constant 1 : i32
    %sub3A_26 = arith.subi %div3A, %sub3A : i32
    %select_n3A_27 = arith.select %and3A, %sub3A_26, %div3A : i32
    %mul3A_28 = arith.constant 16 : i32
    %mul3A_29 = arith.muli %select_n3A_27, %mul3A_28 : i32
    %add3A_30 = arith.constant 16 : i32
    %add3A_31 = arith.addi %mul3A_29, %add3A_30 : i32
    %add3A_32 = vector.broadcast %scan3A_8#0 : i32 to vector<16xi32>
    %add3A_33 = arith.addi %add3A_32, %iota3A : vector<16xi32>
    %broadcast_in_dim3A = arith.constant 1 : i32
    %broadcast_in_dim3A_34 = vector.broadcast %broadcast_in_dim3A : i32 to vector<16xi32>
    %mul3A_35 = vector.broadcast %select_n3A : i32 to vector<16xi32>
    %mul3A_36 = arith.muli %broadcast_in_dim3A_34, %mul3A_35 : vector<16xi32>
    %sub3A_37 = arith.subi %add3A_31, %scan3A_8#0 : i32
    %lt3A_38 = vector.broadcast %sub3A_37 : i32 to vector<16xi32>
    %lt3A_39 = arith.cmpi slt, %iota3A, %lt3A_38 : vector<16xi32>
    tpu.vector_store_idx %arg7[%add3A_33], %mul3A_36 masked %lt3A_39 : memref<1040xi32, #tpu.memory_space<vmem>>[vector<16xi32>], vector<16xi32>, vector<16xi1>
    %broadcast_in_dim3A_40 = vector.broadcast %add3A : i32 to vector<16xi32>
    %gather3A = tpu.vector_load_idx %arg9[%broadcast_in_dim3A_40] : memref<32xi32, #tpu.memory_space<vmem>>[vector<16xi32>], vector<16xi32>,
    %slice3A = vector.extract_strided_slice %gather3A {offsets = [0], sizes = [1], strides = [1]} : vector<16xi32> to vector<1xi32>
    %squeeze3A = vector.extract %slice3A[0] : i32 from vector<1xi32>
    %jit3A_41 = arith.constant 16 : i32
    %div3A_42 = arith.divsi %add3A_31, %jit3A_41 : i32
    %sign3A_43 = arith.constant 0 : i32
    %sign3A_44 = arith.cmpi sgt, %add3A_31, %sign3A_43 : i32
    %sign3A_45 = arith.extui %sign3A_44 : i1 to i32
    %sign3A_46 = arith.constant 0 : i32
    %sign3A_47 = arith.cmpi slt, %add3A_31, %sign3A_46 : i32
    %sign3A_48 = arith.extui %sign3A_47 : i1 to i32
    %sign3A_49 = arith.subi %sign3A_45, %sign3A_48 : i32
    %sign3A_50 = arith.constant 0 : i32
    %sign3A_51 = arith.cmpi sgt, %jit3A_41, %sign3A_50 : i32
    %sign3A_52 = arith.extui %sign3A_51 : i1 to i32
    %sign3A_53 = arith.constant 0 : i32
    %sign3A_54 = arith.cmpi slt, %jit3A_41, %sign3A_53 : i32
    %sign3A_55 = arith.extui %sign3A_54 : i1 to i32
    %sign3A_56 = arith.subi %sign3A_52, %sign3A_55 : i32
    %ne3A_57 = arith.cmpi ne, %sign3A_49, %sign3A_56 : i32
    %rem3A_58 = arith.remsi %add3A_31, %jit3A_41 : i32
    %ne3A_59 = arith.constant 0 : i32
    %ne3A_60 = arith.cmpi ne, %rem3A_58, %ne3A_59 : i32
    %and3A_61 = arith.andi %ne3A_57, %ne3A_60 : i1
    %sub3A_62 = arith.constant 1 : i32
    %sub3A_63 = arith.subi %div3A_42, %sub3A_62 : i32
    %select_n3A_64 = arith.select %and3A_61, %sub3A_63, %div3A_42 : i32
    %while3A = arith.constant 0 : i32
    %while3A_65 = arith.constant 0 : i32
    %while3A_66 = arith.subi %select_n3A_64, %while3A : i32
    %while3A_67 = arith.addi %while3A, %while3A_66 : i32
    %while3A_68 = arith.constant 1 : i32
    %while3A_69 = arith.divsi %while3A_66, %while3A_68 : i32
    %while3A_70 = arith.muli %while3A_69, %while3A_68 : i32
    %while3A_71 = arith.addi %while3A, %while3A_70 : i32
    %while3A_72 = arith.constant 1 : i32
    %while3A_73 = scf.for %while3A_76 = %while3A to %while3A_71 step %while3A_72 iter_args(%while3A_77 = %while3A_65) -> (i32)  : i32 {
      %mul3A_78 = arith.constant 16 : i32
      %mul3A_79 = arith.muli %while3A_76, %mul3A_78 : i32
      %get3A = arith.index_cast %mul3A_79 : i32 to index
      %get3A_80 = tpu.vector_load %arg7[%get3A] {strides = array<i32>} : memref<1040xi32, #tpu.memory_space<vmem>>, vector<16xi32>,
      %mul3A_81 = arith.constant 16 : i32
      %mul3A_82 = arith.muli %while3A_76, %mul3A_81 : i32
      %add3A_83 = arith.addi %squeeze3A, %mul3A_82 : i32
      %multiple_of3A = tpu.assume_multiple %add3A_83, 16 : i32
      %dma_start3A = arith.constant 0 : i32
      %dma_start3A_84 = arith.constant 0 : i32
      %dma_start3A_85 = tpu.memref_slice %arg3[%dma_start3A, %dma_start3A_84] : memref<32768x768xf32, #tpu.memory_space<hbm>> -> memref<32768x768xf32, #tpu.memory_space<hbm>>
      tpu.enqueue_indirect_dma source(%dma_start3A_85 : memref<32768x768xf32, #tpu.memory_space<hbm>>) target(%arg8 : memref<16x768xf32, #tpu.memory_space<vmem>>) offsets(%get3A_80 : vector<16xi32>) semaphore(%arg10 : memref<!tpu.dma_semaphore, #tpu.memory_space<semaphore_mem>>)
      %dma_wait3A = arith.constant 0 : i32
      %dma_wait3A_86 = arith.constant 0 : i32
      %dma_wait3A_87 = tpu.memref_slice %arg3[%dma_wait3A, %dma_wait3A_86] : memref<32768x768xf32, #tpu.memory_space<hbm>> -> memref<32768x768xf32, #tpu.memory_space<hbm>>
      tpu.wait_indirect_dma semaphore(%arg10 : memref<!tpu.dma_semaphore, #tpu.memory_space<semaphore_mem>>) src(%dma_wait3A_87 : memref<32768x768xf32, #tpu.memory_space<hbm>>) dst(%arg8 : memref<16x768xf32, #tpu.memory_space<vmem>>)
      "tpu.region"() ({
        %run_scoped3A = tpu.sem_alloc : memref<!tpu.dma_semaphore, #tpu.memory_space<semaphore_mem>>
        %dma_start3A_89 = arith.constant 0 : i32
        %dma_start3A_90 = tpu.memref_slice %arg5[%multiple_of3A, %dma_start3A_89] : memref<33280x768xf32, #tpu.memory_space<hbm>> -> memref<16x768xf32, #tpu.memory_space<hbm>>
        %dma_start3A_91 = arith.constant 0 : i32
        %dma_start3A_92 = tpu.memref_slice %arg5[%multiple_of3A, %dma_start3A_91] : memref<33280x768xf32, #tpu.memory_space<hbm>> -> memref<16x768xf32, #tpu.memory_space<hbm>>
        tpu.enqueue_dma source(%arg8 : memref<16x768xf32, #tpu.memory_space<vmem>>) target(%dma_start3A_92 : memref<16x768xf32, #tpu.memory_space<hbm>>) target_semaphore(%run_scoped3A : memref<!tpu.dma_semaphore, #tpu.memory_space<semaphore_mem>>)
        %dma_wait3A_93 = arith.constant 0 : i32
        %dma_wait3A_94 = tpu.memref_slice %arg5[%multiple_of3A, %dma_wait3A_93] : memref<33280x768xf32, #tpu.memory_space<hbm>> -> memref<16x768xf32, #tpu.memory_space<hbm>>
        %dma_wait3A_95 = arith.constant 0 : i32
        %dma_wait3A_96 = tpu.memref_slice %arg5[%multiple_of3A, %dma_wait3A_95] : memref<33280x768xf32, #tpu.memory_space<hbm>> -> memref<16x768xf32, #tpu.memory_space<hbm>>
        tpu.wait_dma2 semaphore(%run_scoped3A : memref<!tpu.dma_semaphore, #tpu.memory_space<semaphore_mem>>) src(%arg8 : memref<16x768xf32, #tpu.memory_space<vmem>>) dst(%dma_wait3A_96 : memref<16x768xf32, #tpu.memory_space<hbm>>)
        tpu.yield
      }) : () -> ()
      %while3A_88 = arith.constant 0 : i32
      scf.yield %while3A_88 : i32
    }
    %while3A_74 = arith.constant 1 : i32
    %while3A_75 = scf.for %while3A_76 = %while3A_71 to %while3A_67 step %while3A_74 iter_args(%while3A_77 = %while3A_73) -> (i32)  : i32 {
      %mul3A_78 = arith.constant 16 : i32
      %mul3A_79 = arith.muli %while3A_76, %mul3A_78 : i32
      %get3A = arith.index_cast %mul3A_79 : i32 to index
      %get3A_80 = tpu.vector_load %arg7[%get3A] {strides = array<i32>} : memref<1040xi32, #tpu.memory_space<vmem>>, vector<16xi32>,
      %mul3A_81 = arith.constant 16 : i32
      %mul3A_82 = arith.muli %while3A_76, %mul3A_81 : i32
      %add3A_83 = arith.addi %squeeze3A, %mul3A_82 : i32
      %multiple_of3A = tpu.assume_multiple %add3A_83, 16 : i32
      %dma_start3A = arith.constant 0 : i32
      %dma_start3A_84 = arith.constant 0 : i32
      %dma_start3A_85 = tpu.memref_slice %arg3[%dma_start3A, %dma_start3A_84] : memref<32768x768xf32, #tpu.memory_space<hbm>> -> memref<32768x768xf32, #tpu.memory_space<hbm>>
      tpu.enqueue_indirect_dma source(%dma_start3A_85 : memref<32768x768xf32, #tpu.memory_space<hbm>>) target(%arg8 : memref<16x768xf32, #tpu.memory_space<vmem>>) offsets(%get3A_80 : vector<16xi32>) semaphore(%arg10 : memref<!tpu.dma_semaphore, #tpu.memory_space<semaphore_mem>>)
      %dma_wait3A = arith.constant 0 : i32
      %dma_wait3A_86 = arith.constant 0 : i32
      %dma_wait3A_87 = tpu.memref_slice %arg3[%dma_wait3A, %dma_wait3A_86] : memref<32768x768xf32, #tpu.memory_space<hbm>> -> memref<32768x768xf32, #tpu.memory_space<hbm>>
      tpu.wait_indirect_dma semaphore(%arg10 : memref<!tpu.dma_semaphore, #tpu.memory_space<semaphore_mem>>) src(%dma_wait3A_87 : memref<32768x768xf32, #tpu.memory_space<hbm>>) dst(%arg8 : memref<16x768xf32, #tpu.memory_space<vmem>>)
      "tpu.region"() ({
        %run_scoped3A = tpu.sem_alloc : memref<!tpu.dma_semaphore, #tpu.memory_space<semaphore_mem>>
        %dma_start3A_89 = arith.constant 0 : i32
        %dma_start3A_90 = tpu.memref_slice %arg5[%multiple_of3A, %dma_start3A_89] : memref<33280x768xf32, #tpu.memory_space<hbm>> -> memref<16x768xf32, #tpu.memory_space<hbm>>
        %dma_start3A_91 = arith.constant 0 : i32
        %dma_start3A_92 = tpu.memref_slice %arg5[%multiple_of3A, %dma_start3A_91] : memref<33280x768xf32, #tpu.memory_space<hbm>> -> memref<16x768xf32, #tpu.memory_space<hbm>>
        tpu.enqueue_dma source(%arg8 : memref<16x768xf32, #tpu.memory_space<vmem>>) target(%dma_start3A_92 : memref<16x768xf32, #tpu.memory_space<hbm>>) target_semaphore(%run_scoped3A : memref<!tpu.dma_semaphore, #tpu.memory_space<semaphore_mem>>)
        %dma_wait3A_93 = arith.constant 0 : i32
        %dma_wait3A_94 = tpu.memref_slice %arg5[%multiple_of3A, %dma_wait3A_93] : memref<33280x768xf32, #tpu.memory_space<hbm>> -> memref<16x768xf32, #tpu.memory_space<hbm>>
        %dma_wait3A_95 = arith.constant 0 : i32
        %dma_wait3A_96 = tpu.memref_slice %arg5[%multiple_of3A, %dma_wait3A_95] : memref<33280x768xf32, #tpu.memory_space<hbm>> -> memref<16x768xf32, #tpu.memory_space<hbm>>
        tpu.wait_dma2 semaphore(%run_scoped3A : memref<!tpu.dma_semaphore, #tpu.memory_space<semaphore_mem>>) src(%arg8 : memref<16x768xf32, #tpu.memory_space<vmem>>) dst(%dma_wait3A_96 : memref<16x768xf32, #tpu.memory_space<hbm>>)
        tpu.yield
      }) : () -> ()
      %while3A_88 = arith.constant 0 : i32
      scf.yield %while3A_88 : i32
    }
    return
  }
}

module attributes {stable_mosaic.version = 14 : i64} {
  func.func @_router_body(%arg0: i32, %arg1: memref<512x768xf32, #tpu.memory_space<vmem>>, %arg2: memref<768x64xf32, #tpu.memory_space<vmem>>, %arg3: memref<1x64xf32, #tpu.memory_space<vmem>>, %arg4: memref<512x1xf32, #tpu.memory_space<vmem>>, %arg5: memref<1x1x1xf32, #tpu.memory_space<vmem>>) attributes {dimension_semantics = [#tpu.dimension_semantics<arbitrary>], iteration_bounds = array<i64: 64>, scalar_prefetch = 0 : i64, scratch_operands = 0 : i64, tpu.core_type = #tpu.core_type<tc>, window_params = [{transform_indices = @transform_0, window_bounds = array<i64: 512, 768>}, {pipeline_mode = #tpu.pipeline_mode<synchronous>, transform_indices = @transform_1, window_bounds = array<i64: 768, 64>}, {pipeline_mode = #tpu.pipeline_mode<synchronous>, transform_indices = @transform_2, window_bounds = array<i64: 1, 64>}, {transform_indices = @transform_3, window_bounds = array<i64: 512, 1>}, {transform_indices = @transform_4, window_bounds = array<i64: 1, 1, 1>}]} {
    %get3A = arith.constant 0 : index
    %get3A_0 = arith.constant 0 : index
    %get3A_1 = vector.load %arg1[%get3A, %get3A_0] : memref<512x768xf32, #tpu.memory_space<vmem>>, vector<512x768xf32>
    %get3A_2 = arith.constant 0 : index
    %get3A_3 = arith.constant 0 : index
    %get3A_4 = vector.load %arg2[%get3A_2, %get3A_3] : memref<768x64xf32, #tpu.memory_space<vmem>>, vector<768x64xf32>
    %dot_general3A = arith.constant dense<0.000000e+00> : vector<512x64xf32>
    %dot_general3A_5 = tpu.matmul %get3A_1, %get3A_4, %dot_general3A {dimension_numbers = #tpu.dot_dimension_numbers<[1], [0], [0], [1], [0, 0, 1, 1], [], []>, transpose_lhs_hint = false} : vector<512x768xf32>, vector<768x64xf32>, vector<512x64xf32> -> vector<512x64xf32>
    %get3A_6 = arith.constant 0 : index
    %get3A_7 = arith.constant 0 : index
    %get3A_8 = vector.load %arg3[%get3A_6, %get3A_7] : memref<1x64xf32, #tpu.memory_space<vmem>>, vector<1x64xf32>
    %add3A = vector.broadcast %get3A_8 : vector<1x64xf32> to vector<512x64xf32>
    %add3A_9 = arith.addf %dot_general3A_5, %add3A : vector<512x64xf32>
    %iota3A = tpu.iota {dimensions = array<i32: 1>} : vector<512x64xi32>
    %eq3A = arith.constant 63 : i32
    %eq3A_10 = vector.broadcast %eq3A : i32 to vector<512x64xi32>
    %eq3A_11 = arith.cmpi eq, %iota3A, %eq3A_10 : vector<512x64xi32>
    %jit3A = arith.constant 0xFF800000 : f32
    %broadcast_in_dim3A = vector.broadcast %jit3A : f32 to vector<512x64xf32>
    %select_n3A = arith.select %eq3A_11, %add3A_9, %broadcast_in_dim3A : vector<512x64xi1>, vector<512x64xf32>
    %reduce_max3A = arith.constant dense<0xFF800000> : vector<512xf32>
    %reduce_max3A_12 = vector.multi_reduction <maximumf>, %select_n3A, %reduce_max3A [1] : vector<512x64xf32> to vector<512xf32>
    %broadcast_in_dim3A_13 = vector.shape_cast %reduce_max3A_12 : vector<512xf32> to vector<512x1xf32>
    %jit3A_14 = arith.constant 0xFF800000 : f32
    %broadcast_in_dim3A_15 = vector.broadcast %jit3A_14 : f32 to vector<512x64xf32>
    %select_n3A_16 = arith.select %eq3A_11, %broadcast_in_dim3A_15, %add3A_9 : vector<512x64xi1>, vector<512x64xf32>
    %reduce_max3A_17 = arith.constant dense<0xFF800000> : vector<512xf32>
    %reduce_max3A_18 = vector.multi_reduction <maximumf>, %select_n3A_16, %reduce_max3A_17 [1] : vector<512x64xf32> to vector<512xf32>
    %broadcast_in_dim3A_19 = vector.shape_cast %reduce_max3A_18 : vector<512xf32> to vector<512x1xf32>
    %lt3A = vector.broadcast %broadcast_in_dim3A_13 : vector<512x1xf32> to vector<512x64xf32>
    %lt3A_20 = arith.cmpf olt, %add3A_9, %lt3A : vector<512x64xf32>
    %or3A = arith.ori %eq3A_11, %lt3A_20 : vector<512x64xi1>
    %jit3A_21 = arith.constant 0.000000e+00 : f32
    %jit3A_22 = arith.constant 1.000000e+00 : f32
    %broadcast_in_dim3A_23 = vector.broadcast %jit3A_21 : f32 to vector<512x64xf32>
    %broadcast_in_dim3A_24 = vector.broadcast %jit3A_22 : f32 to vector<512x64xf32>
    %select_n3A_25 = arith.select %or3A, %broadcast_in_dim3A_23, %broadcast_in_dim3A_24 : vector<512x64xi1>, vector<512x64xf32>
    %reduce_sum3A = arith.constant dense<0.000000e+00> : vector<512xf32>
    %reduce_sum3A_26 = vector.multi_reduction <add>, %select_n3A_25, %reduce_sum3A [1] : vector<512x64xf32> to vector<512xf32>
    %broadcast_in_dim3A_27 = vector.shape_cast %reduce_sum3A_26 : vector<512xf32> to vector<512x1xf32>
    %le3A = arith.constant 1.000000e+00 : f32
    %le3A_28 = vector.broadcast %le3A : f32 to vector<512x1xf32>
    %le3A_29 = arith.cmpf ole, %broadcast_in_dim3A_27, %le3A_28 : vector<512x1xf32>
    %sub3A = arith.subf %broadcast_in_dim3A_13, %broadcast_in_dim3A_19 : vector<512x1xf32>
    %logistic3A = arith.negf %sub3A : vector<512x1xf32>
    %logistic3A_30 = math.exp %logistic3A : vector<512x1xf32>
    %logistic3A_31 = arith.constant 1.000000e+00 : f32
    %logistic3A_32 = vector.broadcast %logistic3A_31 : f32 to vector<512x1xf32>
    %logistic3A_33 = arith.addf %logistic3A_32, %logistic3A_30 : vector<512x1xf32>
    %logistic3A_34 = arith.divf %logistic3A_32, %logistic3A_33 : vector<512x1xf32>
    %jit3A_35 = arith.constant 0.000000e+00 : f32
    %broadcast_in_dim3A_36 = vector.broadcast %jit3A_35 : f32 to vector<512x1xf32>
    %select_n3A_37 = arith.select %le3A_29, %logistic3A_34, %broadcast_in_dim3A_36 : vector<512x1xi1>, vector<512x1xf32>
    %swap3A = arith.constant 0 : index
    %swap3A_38 = arith.constant 0 : index
    %swap3A_39 = vector.load %arg4[%swap3A, %swap3A_38] : memref<512x1xf32, #tpu.memory_space<vmem>>, vector<512x1xf32>
    tpu.vector_store %arg4[%swap3A, %swap3A_38], %select_n3A_37 {strides = array<i32>} : memref<512x1xf32, #tpu.memory_space<vmem>>, vector<512x1xf32>,
    %gt3A = arith.constant 0.000000e+00 : f32
    %gt3A_40 = vector.broadcast %gt3A : f32 to vector<512x1xf32>
    %gt3A_41 = arith.cmpf ogt, %select_n3A_37, %gt3A_40 : vector<512x1xf32>
    %convert_element_type3A = arith.extui %gt3A_41 : vector<512x1xi1> to vector<512x1xi32>
    %convert_element_type3A_42 = arith.sitofp %convert_element_type3A : vector<512x1xi32> to vector<512x1xf32>
    %reduce_sum3A_43 = vector.shape_cast %convert_element_type3A_42 : vector<512x1xf32> to vector<1x512x1xf32>
    %reduce_sum3A_44 = arith.constant dense<0.000000e+00> : vector<1xf32>
    %reduce_sum3A_45 = vector.multi_reduction <add>, %reduce_sum3A_43, %reduce_sum3A_44 [1, 2] : vector<1x512x1xf32> to vector<1xf32>
    %reduce_sum3A_46 = vector.shape_cast %reduce_sum3A_45 : vector<1xf32> to vector<1x1x1xf32>
    %reduce_sum3A_47 = vector.extract %reduce_sum3A_46[0, 0, 0] : f32 from vector<1x1x1xf32>
    %reshape3A = vector.broadcast %reduce_sum3A_47 : f32 to vector<1x1x1xf32>
    %swap3A_48 = arith.constant 0 : index
    %swap3A_49 = arith.constant 0 : index
    %swap3A_50 = arith.constant 0 : index
    %swap3A_51 = vector.load %arg5[%swap3A_48, %swap3A_49, %swap3A_50] : memref<1x1x1xf32, #tpu.memory_space<vmem>>, vector<1x1x1xf32>
    tpu.vector_store %arg5[%swap3A_48, %swap3A_49, %swap3A_50], %reshape3A {strides = array<i32>} : memref<1x1x1xf32, #tpu.memory_space<vmem>>, vector<1x1x1xf32>,
    return
  }
  func.func @transform_0(%arg0: i32) -> (i32, i32) {
    %c0_i32 = arith.constant 0 : i32
    %c0_i32_0 = arith.constant 0 : i32
    return %arg0, %c0_i32 : i32, i32
  }
  func.func @transform_1(%arg0: i32) -> (i32, i32) {
    %c0_i32 = arith.constant 0 : i32
    %c0_i32_0 = arith.constant 0 : i32
    %c0_i32_1 = arith.constant 0 : i32
    return %c0_i32, %c0_i32_0 : i32, i32
  }
  func.func @transform_2(%arg0: i32) -> (i32, i32) {
    %c0_i32 = arith.constant 0 : i32
    %c0_i32_0 = arith.constant 0 : i32
    %c0_i32_1 = arith.constant 0 : i32
    return %c0_i32, %c0_i32_0 : i32, i32
  }
  func.func @transform_3(%arg0: i32) -> (i32, i32) {
    %c0_i32 = arith.constant 0 : i32
    %c0_i32_0 = arith.constant 0 : i32
    return %arg0, %c0_i32 : i32, i32
  }
  func.func @transform_4(%arg0: i32) -> (i32, i32, i32) {
    %c0_i32 = arith.constant 0 : i32
    %c0_i32_0 = arith.constant 0 : i32
    %c0_i32_1 = arith.constant 0 : i32
    return %arg0, %c0_i32, %c0_i32_0 : i32, i32, i32
  }
}

module attributes {stable_mosaic.version = 14 : i64} {
  func.func @_mlp_body(%arg0: i32, %arg1: i32, %arg2: memref<2xi32, #tpu.memory_space<smem>>, %arg3: memref<256x768xf32, #tpu.memory_space<vmem>>, %arg4: memref<768x64xf32, #tpu.memory_space<vmem>>, %arg5: memref<1x64xf32, #tpu.memory_space<vmem>>, %arg6: memref<768x1536xf32, #tpu.memory_space<vmem>>, %arg7: memref<1x1536xf32, #tpu.memory_space<vmem>>, %arg8: memref<1536x768xf32, #tpu.memory_space<vmem>>, %arg9: memref<1x768xf32, #tpu.memory_space<vmem>>, %arg10: memref<256x768xf32, #tpu.memory_space<vmem>>) attributes {dimension_semantics = [#tpu.dimension_semantics<arbitrary>, #tpu.dimension_semantics<arbitrary>], iteration_bounds = array<i64: 2, 64>, scalar_prefetch = 1 : i64, scratch_operands = 0 : i64, tpu.core_type = #tpu.core_type<tc>, window_params = [{transform_indices = @transform_0, window_bounds = array<i64: 256, 768>}, {pipeline_mode = #tpu.pipeline_mode<synchronous>, transform_indices = @transform_1, window_bounds = array<i64: 768, 64>}, {pipeline_mode = #tpu.pipeline_mode<synchronous>, transform_indices = @transform_2, window_bounds = array<i64: 1, 64>}, {pipeline_mode = #tpu.pipeline_mode<synchronous>, transform_indices = @transform_3, window_bounds = array<i64: 768, 1536>}, {pipeline_mode = #tpu.pipeline_mode<synchronous>, transform_indices = @transform_4, window_bounds = array<i64: 1, 1536>}, {pipeline_mode = #tpu.pipeline_mode<synchronous>, transform_indices = @transform_5, window_bounds = array<i64: 1536, 768>}, {pipeline_mode = #tpu.pipeline_mode<synchronous>, transform_indices = @transform_6, window_bounds = array<i64: 1, 768>}, {transform_indices = @transform_7, window_bounds = array<i64: 256, 768>}]} {
    %get3A = arith.index_cast %arg0 : i32 to index
    %get3A_0 = memref.load %arg2[%get3A] : memref<2xi32, #tpu.memory_space<smem>>
    %mul3A = arith.constant 256 : i32
    %mul3A_1 = arith.muli %arg1, %mul3A : i32
    %lt3A = arith.cmpi slt, %mul3A_1, %get3A_0 : i32
    %convert_element_type3A = arith.extui %lt3A : i1 to i32
    %cond3A = arith.constant 0 : i32
    %cond3A_2 = arith.cmpi ne, %convert_element_type3A, %cond3A : i32
    scf.if %cond3A_2 {
      %get3A_3 = arith.constant 0 : index
      %get3A_4 = arith.constant 0 : index
      %get3A_5 = vector.load %arg3[%get3A_3, %get3A_4] : memref<256x768xf32, #tpu.memory_space<vmem>>, vector<256x768xf32>
      %get3A_6 = arith.constant 0 : index
      %get3A_7 = arith.constant 0 : index
      %get3A_8 = vector.load %arg4[%get3A_6, %get3A_7] : memref<768x64xf32, #tpu.memory_space<vmem>>, vector<768x64xf32>
      %dot_general3A = arith.constant dense<0.000000e+00> : vector<256x64xf32>
      %dot_general3A_9 = tpu.matmul %get3A_5, %get3A_8, %dot_general3A {dimension_numbers = #tpu.dot_dimension_numbers<[1], [0], [0], [1], [0, 0, 1, 1], [], []>, transpose_lhs_hint = false} : vector<256x768xf32>, vector<768x64xf32>, vector<256x64xf32> -> vector<256x64xf32>
      %get3A_10 = arith.constant 0 : index
      %get3A_11 = arith.constant 0 : index
      %get3A_12 = vector.load %arg5[%get3A_10, %get3A_11] : memref<1x64xf32, #tpu.memory_space<vmem>>, vector<1x64xf32>
      %add3A = vector.broadcast %get3A_12 : vector<1x64xf32> to vector<256x64xf32>
      %add3A_13 = arith.addf %dot_general3A_9, %add3A : vector<256x64xf32>
      %iota3A = tpu.iota {dimensions = array<i32: 1>} : vector<256x64xi32>
      %eq3A = arith.constant 63 : i32
      %eq3A_14 = vector.broadcast %eq3A : i32 to vector<256x64xi32>
      %eq3A_15 = arith.cmpi eq, %iota3A, %eq3A_14 : vector<256x64xi32>
      %jit3A = arith.constant 0xFF800000 : f32
      %broadcast_in_dim3A = vector.broadcast %jit3A : f32 to vector<256x64xf32>
      %select_n3A = arith.select %eq3A_15, %add3A_13, %broadcast_in_dim3A : vector<256x64xi1>, vector<256x64xf32>
      %reduce_max3A = arith.constant dense<0xFF800000> : vector<256xf32>
      %reduce_max3A_16 = vector.multi_reduction <maximumf>, %select_n3A, %reduce_max3A [1] : vector<256x64xf32> to vector<256xf32>
      %broadcast_in_dim3A_17 = vector.shape_cast %reduce_max3A_16 : vector<256xf32> to vector<256x1xf32>
      %jit3A_18 = arith.constant 0xFF800000 : f32
      %broadcast_in_dim3A_19 = vector.broadcast %jit3A_18 : f32 to vector<256x64xf32>
      %select_n3A_20 = arith.select %eq3A_15, %broadcast_in_dim3A_19, %add3A_13 : vector<256x64xi1>, vector<256x64xf32>
      %reduce_max3A_21 = arith.constant dense<0xFF800000> : vector<256xf32>
      %reduce_max3A_22 = vector.multi_reduction <maximumf>, %select_n3A_20, %reduce_max3A_21 [1] : vector<256x64xf32> to vector<256xf32>
      %broadcast_in_dim3A_23 = vector.shape_cast %reduce_max3A_22 : vector<256xf32> to vector<256x1xf32>
      %lt3A_24 = vector.broadcast %broadcast_in_dim3A_17 : vector<256x1xf32> to vector<256x64xf32>
      %lt3A_25 = arith.cmpf olt, %add3A_13, %lt3A_24 : vector<256x64xf32>
      %or3A = arith.ori %eq3A_15, %lt3A_25 : vector<256x64xi1>
      %jit3A_26 = arith.constant 0.000000e+00 : f32
      %jit3A_27 = arith.constant 1.000000e+00 : f32
      %broadcast_in_dim3A_28 = vector.broadcast %jit3A_26 : f32 to vector<256x64xf32>
      %broadcast_in_dim3A_29 = vector.broadcast %jit3A_27 : f32 to vector<256x64xf32>
      %select_n3A_30 = arith.select %or3A, %broadcast_in_dim3A_28, %broadcast_in_dim3A_29 : vector<256x64xi1>, vector<256x64xf32>
      %reduce_sum3A = arith.constant dense<0.000000e+00> : vector<256xf32>
      %reduce_sum3A_31 = vector.multi_reduction <add>, %select_n3A_30, %reduce_sum3A [1] : vector<256x64xf32> to vector<256xf32>
      %broadcast_in_dim3A_32 = vector.shape_cast %reduce_sum3A_31 : vector<256xf32> to vector<256x1xf32>
      %le3A = arith.constant 1.000000e+00 : f32
      %le3A_33 = vector.broadcast %le3A : f32 to vector<256x1xf32>
      %le3A_34 = arith.cmpf ole, %broadcast_in_dim3A_32, %le3A_33 : vector<256x1xf32>
      %sub3A = arith.subf %broadcast_in_dim3A_17, %broadcast_in_dim3A_23 : vector<256x1xf32>
      %logistic3A = arith.negf %sub3A : vector<256x1xf32>
      %logistic3A_35 = math.exp %logistic3A : vector<256x1xf32>
      %logistic3A_36 = arith.constant 1.000000e+00 : f32
      %logistic3A_37 = vector.broadcast %logistic3A_36 : f32 to vector<256x1xf32>
      %logistic3A_38 = arith.addf %logistic3A_37, %logistic3A_35 : vector<256x1xf32>
      %logistic3A_39 = arith.divf %logistic3A_37, %logistic3A_38 : vector<256x1xf32>
      %jit3A_40 = arith.constant 0.000000e+00 : f32
      %broadcast_in_dim3A_41 = vector.broadcast %jit3A_40 : f32 to vector<256x1xf32>
      %select_n3A_42 = arith.select %le3A_34, %logistic3A_39, %broadcast_in_dim3A_41 : vector<256x1xi1>, vector<256x1xf32>
      %get3A_43 = arith.constant 0 : index
      %get3A_44 = arith.constant 0 : index
      %get3A_45 = vector.load %arg6[%get3A_43, %get3A_44] : memref<768x1536xf32, #tpu.memory_space<vmem>>, vector<768x1536xf32>
      %dot_general3A_46 = arith.constant dense<0.000000e+00> : vector<256x1536xf32>
      %dot_general3A_47 = tpu.matmul %get3A_5, %get3A_45, %dot_general3A_46 {dimension_numbers = #tpu.dot_dimension_numbers<[1], [0], [0], [1], [0, 0, 1, 1], [], []>, transpose_lhs_hint = false} : vector<256x768xf32>, vector<768x1536xf32>, vector<256x1536xf32> -> vector<256x1536xf32>
      %get3A_48 = arith.constant 0 : index
      %get3A_49 = arith.constant 0 : index
      %get3A_50 = vector.load %arg7[%get3A_48, %get3A_49] : memref<1x1536xf32, #tpu.memory_space<vmem>>, vector<1x1536xf32>
      %add3A_51 = vector.broadcast %get3A_50 : vector<1x1536xf32> to vector<256x1536xf32>
      %add3A_52 = arith.addf %dot_general3A_47, %add3A_51 : vector<256x1536xf32>
      %max3A = arith.constant 0.000000e+00 : f32
      %max3A_53 = vector.broadcast %max3A : f32 to vector<256x1536xf32>
      %max3A_54 = arith.maximumf %add3A_52, %max3A_53 : vector<256x1536xf32>
      %get3A_55 = arith.constant 0 : index
      %get3A_56 = arith.constant 0 : index
      %get3A_57 = vector.load %arg8[%get3A_55, %get3A_56] : memref<1536x768xf32, #tpu.memory_space<vmem>>, vector<1536x768xf32>
      %dot_general3A_58 = arith.constant dense<0.000000e+00> : vector<256x768xf32>
      %dot_general3A_59 = tpu.matmul %max3A_54, %get3A_57, %dot_general3A_58 {dimension_numbers = #tpu.dot_dimension_numbers<[1], [0], [0], [1], [0, 0, 1, 1], [], []>, transpose_lhs_hint = false} : vector<256x1536xf32>, vector<1536x768xf32>, vector<256x768xf32> -> vector<256x768xf32>
      %get3A_60 = arith.constant 0 : index
      %get3A_61 = arith.constant 0 : index
      %get3A_62 = vector.load %arg9[%get3A_60, %get3A_61] : memref<1x768xf32, #tpu.memory_space<vmem>>, vector<1x768xf32>
      %add3A_63 = vector.broadcast %get3A_62 : vector<1x768xf32> to vector<256x768xf32>
      %add3A_64 = arith.addf %dot_general3A_59, %add3A_63 : vector<256x768xf32>
      %mul3A_65 = vector.broadcast %select_n3A_42 : vector<256x1xf32> to vector<256x768xf32>
      %mul3A_66 = arith.mulf %add3A_64, %mul3A_65 : vector<256x768xf32>
      %swap3A = arith.constant 0 : index
      %swap3A_67 = arith.constant 0 : index
      %swap3A_68 = vector.load %arg10[%swap3A, %swap3A_67] : memref<256x768xf32, #tpu.memory_space<vmem>>, vector<256x768xf32>
      tpu.vector_store %arg10[%swap3A, %swap3A_67], %mul3A_66 {strides = array<i32>} : memref<256x768xf32, #tpu.memory_space<vmem>>, vector<256x768xf32>,
    } else {
    }
    return
  }
  func.func @transform_0(%arg0: i32, %arg1: i32, %arg2: memref<2xi32, #tpu.memory_space<smem>>) -> (i32, i32) {
    %get3A = arith.index_cast %arg0 : i32 to index
    %get3A_0 = memref.load %arg2[%get3A] : memref<2xi32, #tpu.memory_space<smem>>
    %add3A = arith.constant 256 : i32
    %add3A_1 = arith.addi %get3A_0, %add3A : i32
    %sub3A = arith.constant 1 : i32
    %sub3A_2 = arith.subi %add3A_1, %sub3A : i32
    %jit3A = arith.constant 256 : i32
    %div3A = arith.divsi %sub3A_2, %jit3A : i32
    %sign3A = arith.constant 0 : i32
    %sign3A_3 = arith.cmpi sgt, %sub3A_2, %sign3A : i32
    %sign3A_4 = arith.extui %sign3A_3 : i1 to i32
    %sign3A_5 = arith.constant 0 : i32
    %sign3A_6 = arith.cmpi slt, %sub3A_2, %sign3A_5 : i32
    %sign3A_7 = arith.extui %sign3A_6 : i1 to i32
    %sign3A_8 = arith.subi %sign3A_4, %sign3A_7 : i32
    %sign3A_9 = arith.constant 0 : i32
    %sign3A_10 = arith.cmpi sgt, %jit3A, %sign3A_9 : i32
    %sign3A_11 = arith.extui %sign3A_10 : i1 to i32
    %sign3A_12 = arith.constant 0 : i32
    %sign3A_13 = arith.cmpi slt, %jit3A, %sign3A_12 : i32
    %sign3A_14 = arith.extui %sign3A_13 : i1 to i32
    %sign3A_15 = arith.subi %sign3A_11, %sign3A_14 : i32
    %ne3A = arith.cmpi ne, %sign3A_8, %sign3A_15 : i32
    %rem3A = arith.remsi %sub3A_2, %jit3A : i32
    %ne3A_16 = arith.constant 0 : i32
    %ne3A_17 = arith.cmpi ne, %rem3A, %ne3A_16 : i32
    %and3A = arith.andi %ne3A, %ne3A_17 : i1
    %sub3A_18 = arith.constant 1 : i32
    %sub3A_19 = arith.subi %div3A, %sub3A_18 : i32
    %select_n3A = arith.select %and3A, %sub3A_19, %div3A : i32
    %max3A = arith.constant 1 : i32
    %max3A_20 = arith.maxsi %max3A, %select_n3A : i32
    %sub3A_21 = arith.constant 1 : i32
    %sub3A_22 = arith.subi %max3A_20, %sub3A_21 : i32
    %min3A = arith.minsi %arg1, %sub3A_22 : i32
    %mul3A = arith.constant 65 : i32
    %mul3A_23 = arith.muli %arg0, %mul3A : i32
    %add3A_24 = arith.addi %mul3A_23, %min3A : i32
    %c0_i32 = arith.constant 0 : i32
    %c0_i32_25 = arith.constant 0 : i32
    return %add3A_24, %c0_i32 : i32, i32
  }
  func.func @transform_1(%arg0: i32, %arg1: i32, %arg2: memref<2xi32, #tpu.memory_space<smem>>) -> (i32, i32) {
    %c0_i32 = arith.constant 0 : i32
    %c0_i32_0 = arith.constant 0 : i32
    %c0_i32_1 = arith.constant 0 : i32
    return %c0_i32, %c0_i32_0 : i32, i32
  }
  func.func @transform_2(%arg0: i32, %arg1: i32, %arg2: memref<2xi32, #tpu.memory_space<smem>>) -> (i32, i32) {
    %c0_i32 = arith.constant 0 : i32
    %c0_i32_0 = arith.constant 0 : i32
    %c0_i32_1 = arith.constant 0 : i32
    return %c0_i32, %c0_i32_0 : i32, i32
  }
  func.func @transform_3(%arg0: i32, %arg1: i32, %arg2: memref<2xi32, #tpu.memory_space<smem>>) -> (i32, i32) {
    %c0_i32 = arith.constant 0 : i32
    %c0_i32_0 = arith.constant 0 : i32
    %c0_i32_1 = arith.constant 0 : i32
    return %c0_i32, %c0_i32_0 : i32, i32
  }
  func.func @transform_4(%arg0: i32, %arg1: i32, %arg2: memref<2xi32, #tpu.memory_space<smem>>) -> (i32, i32) {
    %c0_i32 = arith.constant 0 : i32
    %c0_i32_0 = arith.constant 0 : i32
    %c0_i32_1 = arith.constant 0 : i32
    return %c0_i32, %c0_i32_0 : i32, i32
  }
  func.func @transform_5(%arg0: i32, %arg1: i32, %arg2: memref<2xi32, #tpu.memory_space<smem>>) -> (i32, i32) {
    %c0_i32 = arith.constant 0 : i32
    %c0_i32_0 = arith.constant 0 : i32
    %c0_i32_1 = arith.constant 0 : i32
    return %c0_i32, %c0_i32_0 : i32, i32
  }
  func.func @transform_6(%arg0: i32, %arg1: i32, %arg2: memref<2xi32, #tpu.memory_space<smem>>) -> (i32, i32) {
    %c0_i32 = arith.constant 0 : i32
    %c0_i32_0 = arith.constant 0 : i32
    %c0_i32_1 = arith.constant 0 : i32
    return %c0_i32, %c0_i32_0 : i32, i32
  }
  func.func @transform_7(%arg0: i32, %arg1: i32, %arg2: memref<2xi32, #tpu.memory_space<smem>>) -> (i32, i32) {
    %get3A = arith.index_cast %arg0 : i32 to index
    %get3A_0 = memref.load %arg2[%get3A] : memref<2xi32, #tpu.memory_space<smem>>
    %add3A = arith.constant 256 : i32
    %add3A_1 = arith.addi %get3A_0, %add3A : i32
    %sub3A = arith.constant 1 : i32
    %sub3A_2 = arith.subi %add3A_1, %sub3A : i32
    %jit3A = arith.constant 256 : i32
    %div3A = arith.divsi %sub3A_2, %jit3A : i32
    %sign3A = arith.constant 0 : i32
    %sign3A_3 = arith.cmpi sgt, %sub3A_2, %sign3A : i32
    %sign3A_4 = arith.extui %sign3A_3 : i1 to i32
    %sign3A_5 = arith.constant 0 : i32
    %sign3A_6 = arith.cmpi slt, %sub3A_2, %sign3A_5 : i32
    %sign3A_7 = arith.extui %sign3A_6 : i1 to i32
    %sign3A_8 = arith.subi %sign3A_4, %sign3A_7 : i32
    %sign3A_9 = arith.constant 0 : i32
    %sign3A_10 = arith.cmpi sgt, %jit3A, %sign3A_9 : i32
    %sign3A_11 = arith.extui %sign3A_10 : i1 to i32
    %sign3A_12 = arith.constant 0 : i32
    %sign3A_13 = arith.cmpi slt, %jit3A, %sign3A_12 : i32
    %sign3A_14 = arith.extui %sign3A_13 : i1 to i32
    %sign3A_15 = arith.subi %sign3A_11, %sign3A_14 : i32
    %ne3A = arith.cmpi ne, %sign3A_8, %sign3A_15 : i32
    %rem3A = arith.remsi %sub3A_2, %jit3A : i32
    %ne3A_16 = arith.constant 0 : i32
    %ne3A_17 = arith.cmpi ne, %rem3A, %ne3A_16 : i32
    %and3A = arith.andi %ne3A, %ne3A_17 : i1
    %sub3A_18 = arith.constant 1 : i32
    %sub3A_19 = arith.subi %div3A, %sub3A_18 : i32
    %select_n3A = arith.select %and3A, %sub3A_19, %div3A : i32
    %max3A = arith.constant 1 : i32
    %max3A_20 = arith.maxsi %max3A, %select_n3A : i32
    %sub3A_21 = arith.constant 1 : i32
    %sub3A_22 = arith.subi %max3A_20, %sub3A_21 : i32
    %min3A = arith.minsi %arg1, %sub3A_22 : i32
    %mul3A = arith.constant 65 : i32
    %mul3A_23 = arith.muli %arg0, %mul3A : i32
    %add3A_24 = arith.addi %mul3A_23, %min3A : i32
    %c0_i32 = arith.constant 0 : i32
    %c0_i32_25 = arith.constant 0 : i32
    return %add3A_24, %c0_i32 : i32, i32
  }
}

</mosaic_0001>

<sc_bundles>
// kernel: kernel.6.cloned.1.call-start
scs
__scs_entry_jumppad:
0x0: {  	(pc) =	sbr.rel $0x88, $3  }
0x1: {  	(tag) =	ssettag $0x0;
	lr =	simm.s32 $0x1  }
0x2: {  	[smem:$0x3F9A] =	sst lr;
	_ =	strace $0xD0000000  }
0x3: {  	_ = 	snop  }
0x4: {  	_ = 	snop  }
0x5: {  	_ = 	snop  }
0x6: {  	_ = 	snop  }
0x7: {  	_ = 	snop  }
__scs_overlays_trampoline_lowered:
0x8: {  	[smem:$0x3FA9] =	sst s0  }
0x9: {  	[smem:$0x3FAA] =	sst s1  }
0xa: {  	[smem:$0x3FAB] =	sst s2  }
0xb: {  	[smem:$0x3FAC] =	sst s3  }
0xc: {  	[smem:$0x3FAD] =	sst s4  }
0xd: {  	[smem:$0x3FAE] =	sst s5  }
0xe: {  	[smem:$0x3FAF] =	sst s6  }
0xf: {  	[smem:$0x3FB0] =	sst s7  }
0x10: {  	[smem:$0x3FB1] =	sst s8  }
0x11: {  	[smem:$0x3FB2] =	sst s9;
	s0 =	simm.s32 @!p0 $0x0  }
0x12: {  	s1 =	sld [smem:$0x3F98];
	s0 =	simm.s32 @p0 $0x1  }
0x13: {  	[smem:$0x3FB3] =	sst s0;
	s0 =	simm.s32 @!p1 $0x0  }
0x14: {  	s2 =	sld [smem:$0x3F97];
	s0 =	simm.s32 @p1 $0x1  }
0x15: {  	[smem:$0x3FB4] =	sst s0;
	s0 =	simm.s32 @!p2 $0x0  }
0x16: {  	s3 =	sld [smem:$0x3FDB];
	s0 =	simm.s32 @p2 $0x1  }
0x17: {  	s4 =	simm.s32 $0x1BF5;
	[smem:$0x3FB6] =	sst s0  }
0x18: {  	s0 =	sld [smem:$0x3F99];
	_ =	swait.ge [sflag:s4], $0x0  }
0x19: {  	s7 =	sld [smem:$0x3F9A]  }
0x1a: {  	s8 =	sadd.s32 $0xFFFFE003, lr  }
0x1b: {  	s9 =	sadd.s32 $0xFFFFFEF7, lr;
	s5 =	simm.s32 $0xFFFFFFFF;
	p2 =	slt.u32 s8, $0xFFFFF086  }
0x1c: {  	p1 =	slt.u32 s9, $0xF7A;
	s5 =	simm.s32 @!p2 $0x0  }
0x1d: {  	s5 =	simm.s32 @p1 $0x1;
	p0 =	seq.s32 s7, s2  }
0x1e: {  	s7 =	smul.u32 @!p0 $0xF7A, s2;
	p2 =	seq.s32 @!p0 s5, $0x0  }
0x1f: {  	s9 =	smul.u32 $0xF7A, s1;
	s8 =	simm.s32 @!p0 $0x1BF5;
	p2 =	por !p2, p0  }
0x20: {  	[sflag:s8] =	ssyncset.s32 @!p0 $0xFFFFF086;
	s6 =	sadd.s32 @!p0 s3, s7;
	s7 =	simm.s32 @!p0 $0x108  }
0x21: {  	s3 =	sadd.s32 s3, s9;
	s6 =	sadd.s32 @!p0 $0x88, s6;
	s7 =	simm.s32 @p2 $0x1082  }
0x22: {  	[simem:s7], [sflag:s8] =	dma.local @!p0 [hbm:s6], $0xF7A  }
0x23: {  	s9 =	sor.u32 $0xD0000000, s2;
	s6 =	simm.s32 $0x108;
	_ =	swait.ge @!p0 [sflag:s8], $0x0  }
0x24: {  	s3 =	sadd.s32 $0x88, s3;
	s6 =	simm.s32 @!p1 $0x1082;
	[sflag:s4] =	ssyncset.s32 $0xFFFFF086  }
0x25: {  	[simem:s6], [sflag:s4] =	dma.local [hbm:s3], $0xF7A  }
0x26: {  	[smem:$0x3F9A] =	sst s1;
	(tag) =	ssettag s2;
	_ =	strace s9  }
0x27: {  	s1 =	sld [smem:$0x3FAA]  }
0x28: {  	s2 =	sld [smem:$0x3FAB]  }
0x29: {  	s4 =	sld [smem:$0x3FAD]  }
0x2a: {  	p0 =	seq.s32 s5, $0x0;
	s5 =	sld [smem:$0x3FAE]  }
0x2b: {  	s6 =	sld [smem:$0x3FAF]  }
0x2c: {  	s7 =	sld [smem:$0x3FB0]  }
0x2d: {  	s3 =	simm.s32 $0x108;
	s8 =	sld [smem:$0x3FB1]  }
0x2e: {  	s3 =	simm.s32 @!p0 $0x1082;
	s9 =	sld [smem:$0x3FB2]  }
0x2f: {  	lr =	sadd.s32 s0, s3;
	s0 =	sld [smem:$0x3FA9]  }
0x30: {  	s3 =	sld [smem:$0x3FAC]  }
0x31: {  	[smem:$0x3FB5] =	sst s10  }
0x32: {  	s10 =	sld [smem:$0x3FB3];
	_ =	sdelay $0x3  }
0x33: {  	p0 =	seq.s32 s10, $0x1;
	s10 =	sld [smem:$0x3FB5];
	_ =	sdelay $0x3  }
0x34: {  	[smem:$0x3FB5] =	sst s10  }
0x35: {  	s10 =	sld [smem:$0x3FB4];
	_ =	sdelay $0x3  }
0x36: {  	p1 =	seq.s32 s10, $0x1;
	s10 =	sld [smem:$0x3FB5];
	_ =	sdelay $0x3  }
0x37: {  	[smem:$0x3FB5] =	sst s10  }
0x38: {  	s10 =	sld [smem:$0x3FB6]  }
0x39: {  	_ = 	snop;
	(pc) =	sbr.ind lr, $3  }
0x3a: {  	_ = 	snop  }
0x3b: {  	_ = 	snop  }
0x3c: {  	p2 =	seq.s32 s10, $0x1;
	s10 =	sld [smem:$0x3FB5]  }
0x3d: {  	_ =	shalt  }
0x3e: {  	_ =	shalt  }
0x3f: {  	_ =	shalt  }
0x40: {  	_ =	shalt  }
0x41: {  	_ =	shalt  }
0x42: {  	_ =	shalt  }
0x43: {  	_ =	shalt  }
0x44: {  	_ =	shalt  }
0x45: {  	_ =	shalt  }
0x46: {  	_ =	shalt  }
0x47: {  	_ =	shalt  }
0x48: {  	_ =	shalt  }
0x49: {  	_ =	shalt  }
0x4a: {  	_ =	shalt  }
0x4b: {  	_ =	shalt  }
0x4c: {  	_ =	shalt  }
0x4d: {  	_ =	shalt  }
0x4e: {  	_ =	shalt  }
0x4f: {  	_ =	shalt  }
0x50: {  	_ =	shalt  }
0x51: {  	_ =	shalt  }
0x52: {  	_ =	shalt  }
0x53: {  	_ =	shalt  }
0x54: {  	_ =	shalt  }
0x55: {  	_ =	shalt  }
0x56: {  	_ =	shalt  }
0x57: {  	_ =	shalt  }
0x58: {  	_ =	shalt  }
0x59: {  	_ =	shalt  }
0x5a: {  	_ =	shalt  }
0x5b: {  	_ =	shalt  }
0x5c: {  	_ =	shalt  }
0x5d: {  	_ =	shalt  }
0x5e: {  	_ =	shalt  }
0x5f: {  	_ =	shalt  }
0x60: {  	_ =	shalt  }
0x61: {  	_ =	shalt  }
0x62: {  	_ =	shalt  }
0x63: {  	_ =	shalt  }
0x64: {  	_ =	shalt  }
0x65: {  	_ =	shalt  }
0x66: {  	_ =	shalt  }
0x67: {  	_ =	shalt  }
0x68: {  	_ =	shalt  }
0x69: {  	_ =	shalt  }
0x6a: {  	_ =	shalt  }
0x6b: {  	_ =	shalt  }
0x6c: {  	_ =	shalt  }
0x6d: {  	_ =	shalt  }
0x6e: {  	_ =	shalt  }
0x6f: {  	_ =	shalt  }
0x70: {  	_ =	shalt  }
0x71: {  	_ =	shalt  }
0x72: {  	_ =	shalt  }
0x73: {  	_ =	shalt  }
0x74: {  	_ =	shalt  }
0x75: {  	_ =	shalt  }
0x76: {  	_ =	shalt  }
0x77: {  	_ =	shalt  }
0x78: {  	_ =	shalt  }
0x79: {  	_ =	shalt  }
0x7a: {  	_ =	shalt  }
0x7b: {  	_ =	shalt  }
0x7c: {  	_ =	shalt  }
0x7d: {  	_ =	shalt  }
0x7e: {  	_ =	shalt  }
0x7f: {  	_ =	shalt  }
0x80: {  	_ =	shalt  }
0x81: {  	_ =	shalt  }
0x82: {  	_ =	shalt  }
0x83: {  	_ =	shalt  }
0x84: {  	_ =	shalt  }
0x85: {  	_ =	shalt  }
0x86: {  	_ =	shalt  }
0x87: {  	_ =	shalt  }
.Lfunc_end0:
.L_simem_size_0:
called_computation_lowered:
.L_overlay_start_0:
0x88: {  	s2 =	sld [smem:$0x3FD9]  }
0x89: {  	s3 =	sld [smem:$0x3FFE];
	_ =	sdelay $0x1  }
0x8a: {  	s1 =	srdreg.scid  }
0x8b: {  	s0 =	sand.u32 $0x1, s1  }
0x8c: {  	s17 =	sshll.u32 s0, $0xA;
	s2 =	sadd.s32 s3, s2  }
0x8d: {  	s2 =	sadd.s32 s2, s17  }
0x8e: {  	[smem:$0x3FC1] =	sst s2  }
0x8f: {  	_ = 	snop  }
0x90: {  	s2 =	sld [smem:$0x3FC9];
	(tm) =	ssettm $0x1  }
0x91: {  	s18 =	sld [smem:$0x3FFB];
	_ =	sdelay $0x3  }
0x92: {  	_ =	strace s18  }
0x93: {  	s3 =	sld [smem:$0x3FFC];
	_ =	sdelay $0x3  }
0x94: {  	_ =	strace s3  }
0x95: {  	s3 =	sld [smem:$0x3FFD];
	_ =	sdelay $0x3  }
0x96: {  	_ =	strace s3  }
0x97: {  	_ =	strace $0x8FFFFFFF  }
0x98: {  	s19 =	sld [smem:$0x3FDB];
	_ =	sdelay $0x1  }
0x99: {  	s4 =	simm.s32 $_scs_section_size  }
0x9a: {  	s5 =	simm.s32 $_size__tile_overlayer_lowered;
	s6 =	simm.s32 $_tile_overlayer_lowered  }
0x9b: {  	s22 =	simm.s32 $0x1BFF;
	s21 =	sshll.u32 s6, $0x1;
	s3 =	sadd.s32 s4, s19  }
0x9c: {  	s7 =	simm.s32 $0x0;
	s20 =	sshll.u32 s5, $0x1;
	s5 =	sadd.s32 s21, s3  }
0x9d: {  	[timem:s7], [sflag:s22] =	dma.local [hbm:s5], s20  }
0x9e: {  	_ =	swait.ge [sflag:s22], s20  }
0x9f: {  	s4 =	ssub.s32 $0x0, s20;
	[sflag:s22] =	ssyncset.done $0x0  }
0xa0: {  	[sflag:s22] =	ssyncadd.s32 s4;
	_ =	sdelay $0x1  }
0xa1: {  	s23 =	simm.s32 $0x1B8B  }
0xa2: {  	_ =	swait.ge [sflag:s23], $0x1  }
0xa3: {  	[sflag:s23] =	ssyncset.done $0x0  }
0xa4: {  	s25 =	simm.s32 $0x1B8E;
	s24 =	sld [smem:$0x3FFE];
	[sflag:s23] =	ssyncadd.s32 $0xFFFFFFFF  }
0xa5: {  	s26 =	simm.s32 $execute0_lowered;
	[smem:$0x3FD2] =	sst s25  }
0xa6: {  	s5 =	sshll.u32 s26, $0x1;
	_ =	strace $0x80000046;
	[dreg:$0x1] =	wrdreg $0xFFFFFFFF  }
0xa7: {  	s28 =	simm.s32 $_size_execute0_lowered;
	s3 =	sadd.s32 s3, s5;
	[dreg:$0x0] =	wrdreg $0x0  }
0xa8: {  	s5 =	sshll.u32 s28, $0x1;
	[dreg:$0x2] =	wrdreg s3  }
0xa9: {  	[dreg:$0x3] =	wrdreg s5  }
0xaa: {  	[dreg:$0x4] =	wrdreg $0xC0  }
0xab: {  	_ =	task [dreg:s7], $0x5FFFF  }
0xac: {  	[dreg:$0x1] =	wrdreg $0xFFFFFFFF  }
0xad: {  	[dreg:$0x0] =	wrdreg $0x60  }
0xae: {  	[dreg:$0x2] =	wrdreg s24  }
0xaf: {  	[dreg:$0x3] =	wrdreg s2  }
0xb0: {  	[dreg:$0x4] =	wrdreg $0x9  }
0xb1: {  	_ =	task.clear_ibuf [dreg:s7], $0x5FFFF;
	_ =	strace $0x90000046  }
0xb2: {  	s29 =	simm.s32 $0x9;
	_ =	strace $0x80000048  }
0xb3: {  	_ =	swait.ge [sflag:s29], $0x1  }
0xb4: {  	[sflag:s29] =	ssyncadd.s32 $0xFFFFFFFF  }
0xb5: {  	_ =	strace $0x90000048  }
0xb6: {  	_ =	sfence  }
0xb7: {  	s30 =	sld [smem:$0x0];
	_ =	sdelay $0x2  }
0xb8: {  	s31 =	sshll.u32 s1, $0xD;
	s1 =	sshrl.u32 s1, $0x2  }
0xb9: {  	s3 =	sand.u32 $0x4000, s31;
	s1 =	sadd.s32 s1, s30  }
0xba: {  	s0 =	sor.u32 s3, s0;
	s1 =	sshll.u32 s1, $0x11  }
0xbb: {  	s0 =	sor.u32 s1, s0  }
0xbc: {  	s0 =	sadd.s32 $0x8F2B, s0  }
0xbd: {  	[sflag:s0] =	ssyncadd.remote.s32 $0x1  }
0xbe: {  	_ =	sfence.sel $0xFFFF  }
0xbf: {  	[dreg:$0x0] =	wrdreg $0xFFFFFFFF;
	(pc) =	sbr.abs _section_cstart, $3  }
0xc0: {  	[dreg:$0x1] =	wrdreg $0xFFFFFFFF  }
0xc1: {  	_ =	task.clear_ibuf [dreg:s7], $0x2FFFF;
	_ =	strace $0x9FFFFFFF  }
0xc2: {  	(tm) =	ssettm $0x7FFFFFFF  }
0xc3: {  	_ =	shalt  }
tec
execute0_lowered:
.L_overlay_start_1:
0x0: {  	(tag) =	ssettag $0x1  }
0x1: {  	s5 =	rddreg [dreg:$0x0]  }
0x2: {  	s1 =	rddreg [dreg:$0x1]  }
0x3: {  	s2 =	srdreg.scid;
	s0 =	rddreg [dreg:$0x2];
	s3 =	simm.s32 $0x0  }
0x4: {  	s13 =	simm.s32 $0x3880;
	s15 =	simm.s32 $0x1;
	s16 =	simm.s32 $0x880  }
0x5: {  	s17 =	simm.s32 $0x1080;
	s18 =	simm.s32 $0x1880;
	s19 =	simm.s32 $0x2080  }
0x6: {  	s20 =	simm.s32 $0x2880;
	s21 =	simm.s32 $0x3080;
	s22 =	simm.s32 $0x0  }
0x7: {  	s11 =	sand.u32 $0x1, s2;
	s2 =	stileid.u32;
	[smem:$0x7FF] =	sst s3  }
0x8: {  	s9 =	sadd.s32 $0x200, s1;
	s4 =	sshll.u32 s11, $0x4;
	_ =	strace $0x80000047  }
0x9: {  	s6 =	ssub.s32 $0x2, s11;
	s11 =	sshll.u32 s11, $0xE;
	s12 =	sshll.u32 s2, $0xA  }
.Ltmp0:
0xa: {  	s14 =	sor.u32 s2, s4;
	s8 =	sshrl.u32 s6, $0x1;
	(pc) =	sbr.rel .LBB2_1-.Ltmp0, $4  }
0xb: {  	s11 =	sor.u32 s12, s11;
	s12 =	simm.s32 $0x2;
	s4 =	sshll.u32 s14, $0x7  }
0xc: {  	v1 =	vlaneseq.u32;
	v2 =	vimm.s32 $0x0;
	s10 =	ssub.s32 s6, s8;
	s6 =	sshll.u32 s14, $0xA;
	s8 =	sadd.s32 $0x100, s1  }
0xd: {  	vm0 =	vmmov $0xffff;
	v4 =	vshrl.u32 v1, $0x3;
	v0 =	vmov s14;
	s14 =	simm.s32 $0x400;
	s7 =	sadd.s32 s4, s5;
	s4 =	sadd.s32 $0x1400, s5  }
0xe: {  	v3 =	vand.u32 $0x7, v1;
	v5 =	vor.u32 $0x8, v1;
	v4 =	vmul.u32 $0x8, v4;
	s5 =	sadd.s32 $0x1600, s5;
	s10 =	smax.u32 s10, $0x1;
	s7 =	sadd.s32 $0x200, s7  }
.LBB2_6:
0xf: {  	[sflag:s12] =	ssyncadd.s32 $0xFFFFD000  }
.LBB2_7:
0x10: {  	s22 =	sadd.s32 $0x1, s22  }
0x11: {  	p0 =	sne.s32 s22, s10  }
.Ltmp1:
0x12: {  	_ = 	snop;
	(pc) =	sbr.rel @!p0 .LBB2_8-.Ltmp1, $1  }
0x13: {  	_ =	sdelay $0x3  }
.LBB2_1:
0x14: {  	[tilespmem:s3], [sflag:$0x2] =	stream.linear.gather [hbm4b:s7+s3], $0x400, $0x38;
	[tilespmem:$0x3900] =	vst v63  }
0x15: {  	_ =	swait.ge [sflag:s12], $0x400  }
0x16: {  	[sflag:s12] =	ssyncset.done $0x0  }
0x17: {  	[sflag:s12] =	ssyncadd.s32 $0xFFFFFC00  }
0x18: {  	[tilespmem:s13], [sflag:$0x2] =	stream.linear.gather [hbm4b:s4+s3], $0x80, $0x38;
	[tilespmem:$0x3900] =	vst v63  }
0x19: {  	_ =	swait.ge [sflag:s12], $0x80  }
0x1a: {  	[sflag:s12] =	ssyncset.done $0x0  }
0x1b: {  	s23 =	simm.s32 $0x0;
	[sflag:s12] =	ssyncadd.s32 $0xFFFFFF80  }
0x1c: {  	v6 =	vld [tilespmem:s23+$0x0];
	_ =	sdelay $0x4  }
0x1d: {  	vm1 =	vgt.f32 v6, $0.0e+00  }
0x1e: {  	vm2 =	vmneg vm1;
	v6 =	vsel vm1, $0x1, v2;
	v7 =	vmpcnt.ones.xlane vm1  }
0x1f: {  	v8 =	vmpcnt.ones.xlane vm2;
	(xrf0) =	vadd.scan.msk.s32 $0xffff, v6  }
0x20: {  	v6 =	vmctz.xlane vm2;
	(v2sf) =	vpush v7, $0x0  }
0x21: {  	(v2sf) =	vpush v8, $0x0  }
0x22: {  	v7 =	vmov s3;
	(v2sf) =	vpush v6, $0x0  }
0x23: {  	v6 =	vadd.s32 $0xFFFFFFFF, v7  }
0x24: {  	v6 =	vbroadcast v6, $0x0  }
0x25: {  	v7, _, _ =	vpop (xrf0)  }
0x26: {  	v6 =	vadd.s32 v7, v6;
	_ =	sdelay $0x3  }
0x27: {  	v7 =	vor.u32 s11, v1  }
0x28: {  	s30 =	simm.s32 $0x10;
	[tilespmem:v6+s14+$0x0] =	vst.idx.msk vm1, v7  }
0x29: {  	v6 =	vld [tilespmem:s30+$0x0];
	_ =	sdelay $0x2  }
0x2a: {  	s31 =	spop (v2sf)  }
0x2b: {  	s28 =	simm.s32 $0x80;
	s25 =	sadd.s32 $0x0, s31;
	s24 =	spop (v2sf)  }
0x2c: {  	p0 =	por $0x1, $0x1;
	s23 =	simm.s32 $0xFFFFFFFF;
	vm1 =	vgt.f32 v6, $0.0e+00;
	v6 =	vmov s25;
	s26 =	spop (v2sf)  }
0x2d: {  	p1 =	sgt.s32 s24, $0x0;
	s24 =	smov.u32 s11;
	vm2 =	vmneg vm1;
	v7 =	vsel vm1, $0x1, v2;
	v8 =	vmpcnt.ones.xlane vm1;
	s26 =	sadd.s32 s11, s26  }
.LBB2_2:
0x2e: {  	s29 =	smov.u32 s23;
	s24 =	sadd.s32 $0x10, s24  }
0x2f: {  	v6 =	vadd.s32 $0xFFFFFFFF, v6;
	v9 =	vmpcnt.ones.xlane vm2;
	v10 =	vmctz.xlane vm2;
	(xrf0) =	vadd.scan.msk.s32 $0xffff, v7;
	s30 =	sadd.s32 $0x40, s28;
	s29 =	smov.u32 @p1 s26;
	s26 =	smov.u32 s28  }
0x30: {  	p2 =	sne.s32 s28, $0xFC0;
	(v2sf) =	vpush v8, $0x0;
	s23 =	smov.u32 @p0 s29  }
0x31: {  	(v2sf) =	vpush v9, $0x0  }
0x32: {  	(v2sf) =	vpush v10, $0x0;
	_ =	sdelay $0x1  }
0x33: {  	v6 =	vbroadcast v6, $0x0  }
0x34: {  	v7, _, _ =	vpop (xrf0)  }
0x35: {  	v6 =	vadd.s32 v7, v6;
	_ =	sdelay $0x3  }
0x36: {  	v7 =	vor.u32 s24, v1  }
0x37: {  	s26 =	sshra.s32 s26, $0x2;
	[tilespmem:v6+s14+$0x0] =	vst.idx.msk vm1, v7  }
0x38: {  	v6 =	vld [tilespmem:s26+$0x0];
	_ =	sdelay $0x1  }
.Ltmp2:
0x39: {  	(pc) =	sbr.rel @p2 .LBB2_2-.Ltmp2, $4  }
0x3a: {  	s26 =	spop (v2sf)  }
0x3b: {  	s25 =	sadd.s32 s25, s26;
	s26 =	spop (v2sf)  }
0x3c: {  	vm1 =	vgt.f32 v6, $0.0e+00;
	v6 =	vmov s25;
	p1 =	sgt.s32 s26, $0x0;
	s26 =	spop (v2sf)  }
0x3d: {  	s28 =	smov.u32 s30;
	p0 =	slt.s32 s23, $0x0;
	vm2 =	vmneg vm1;
	v7 =	vsel vm1, $0x1, v2;
	v8 =	vmpcnt.ones.xlane vm1;
	s26 =	sadd.s32 s24, s26  }
0x3e: {  	_ = 	snop  }
0x3f: {  	(v2sf) =	vpush v8, $0x0;
	_ =	sdelay $0x7  }
0x40: {  	v61 =	vmpcnt.ones.xlane vm2  }
0x41: {  	v9 =	vmctz.xlane vm2  }
0x42: {  	(v2sf) =	vpush v61, $0x0  }
0x43: {  	(v2sf) =	vpush v9, $0x0;
	_ =	sdelay $0x3  }
0x44: {  	s28 =	spop (v2sf)  }
0x45: {  	s25 =	sadd.s32 s25, s28  }
0x46: {  	s28 =	sand.u32 $0xF, s25  }
0x47: {  	s29 =	sshra.s32 s25, $0x1F;
	p2 =	slt.s32 s25, $0x1;
	p3 =	sne.s32 s28, $0x0  }
0x48: {  	s30 =	sshrl.u32 s29, $0x1C;
	p2 =	por !p2, !p3  }
0x49: {  	(xrf0) =	vadd.scan.msk.s32 $0xffff, v7;
	s29 =	simm.s32 $0x1;
	s28 =	sadd.s32 s30, s25;
	p2 =	por !p2, !p2  }
0x4a: {  	s28 =	sshrl.u32 s28, $0x4;
	s29 =	simm.s32 @!p2 $0x0  }
0x4b: {  	s28 =	ssub.s32 s28, s29  }
0x4c: {  	s28 =	sshll.u32 s28, $0x4  }
0x4d: {  	v6 =	vadd.s32 $0xFFFFFFFF, v6;
	s29 =	smov.u32 s23;
	s28 =	sadd.s32 $0x10, s28  }
0x4e: {  	v6 =	vbroadcast v6, $0x0;
	s29 =	smov.u32 @p1 s26;
	s26 =	spop (v2sf);
	s30 =	ssub.s32 s28, s25  }
0x4f: {  	s24 =	sadd.s32 $0x10, s24;
	v7, _, _ =	vpop (xrf0);
	s23 =	smov.u32 @p0 s29;
	s31 =	spop (v2sf);
	v62 =	vmov s30  }
0x50: {  	v6 =	vadd.s32 v7, v6;
	p0 =	sgt.s32 s26, $0x0;
	s26 =	sadd.s32 s24, s31;
	s29 =	smov.u32 s23;
	vm2 =	vgt.s32 v62, v1  }
0x51: {  	v7 =	vadd.s32 s25, v1;
	s29 =	smov.u32 @p0 s26;
	p0 =	slt.s32 s23, $0x0  }
0x52: {  	s23 =	smov.u32 @p0 s29  }
0x53: {  	p0 =	slt.s32 s23, $0x0  }
0x54: {  	v63 =	vor.u32 s24, v1;
	s23 =	smov.u32 @p0 s6  }
0x55: {  	[tilespmem:v6+s14+$0x0] =	vst.idx.msk vm1, v63;
	v6 =	vmov s23;
	s23 =	simm.s32 $0x400  }
0x56: {  	[tilespmem:v7+s23+$0x0] =	vst.idx.msk vm2, v6  }
0x57: {  	v6 =	vld.idx.msk [tilespmem:v0+s13+$0x0], $0xffff;
	_ =	sdelay $0x4  }
0x58: {  	(v2sf) =	vpush v6, $0x0;
	_ =	sdelay $0x8  }
0x59: {  	s25 =	sshra.s32 s28, $0x4  }
0x5a: {  	p0 =	slt.s32 s25, $0x1  }
.Ltmp3:
0x5b: {  	_ = 	snop;
	(pc) =	sbr.rel @p0 .LBB2_7-.Ltmp3, $2  }
0x5c: {  	_ =	sdelay $0x2  }
0x5d: {  	s24 =	spop (v2sf)  }
0x5e: {  	v6 =	vld [tilespmem:s23+$0x0];
	_ =	sdelay $0x4  }
0x5f: {  	v7 =	vshrl.u32 v6, $0x3  }
0x60: {  	v7 =	vmul.u32 $0x30, v7  }
0x61: {  	v6 =	vand.u32 $0x7, v6  }
0x62: {  	v6 =	vor.u32 v6, v7  }
0x63: {  	v7 =	vperm.xlane v6, v3;
	_ =	sdelay $0x1  }
0x64: {  	v7 =	vadd.s32 v4, v7;
	_ =	sdelay $0x3  }
0x65: {  	v6 =	vperm.xlane v6, v5  }
0x66: {  	[tilespmem:s16], [sflag:$0x1] =	stream.indirect_vreg.gather [hbm4b:s1+s3], $0x80, v7, vm0, $0xb8;
	[tilespmem:$0x3900] =	vst v63  }
0x67: {  	v6 =	vadd.s32 v4, v6  }
0x68: {  	[tilespmem:s17], [sflag:$0x1] =	stream.indirect_vreg.gather [hbm4b:s8+s3], $0x80, v7, vm0, $0xb8;
	[tilespmem:$0x3900] =	vst v63  }
0x69: {  	_ = 	snop  }
0x6a: {  	[tilespmem:s18], [sflag:$0x1] =	stream.indirect_vreg.gather [hbm4b:s9+s3], $0x80, v7, vm0, $0xb8;
	[tilespmem:$0x3900] =	vst v63  }
0x6b: {  	_ = 	snop  }
0x6c: {  	[tilespmem:s19], [sflag:$0x1] =	stream.indirect_vreg.gather [hbm4b:s1+s3], $0x80, v6, vm0, $0xb8;
	[tilespmem:$0x3900] =	vst v63  }
0x6d: {  	_ = 	snop  }
0x6e: {  	[tilespmem:s20], [sflag:$0x1] =	stream.indirect_vreg.gather [hbm4b:s8+s3], $0x80, v6, vm0, $0xb8;
	[tilespmem:$0x3900] =	vst v63  }
0x6f: {  	s26 =	sshrl.u32 s24, $0x3  }
0x70: {  	[tilespmem:s21], [sflag:$0x1] =	stream.indirect_vreg.gather [hbm4b:s9+s3], $0x80, v6, vm0, $0xb8;
	[tilespmem:$0x3900] =	vst v63  }
0x71: {  	p0 =	sne.s32 s25, $0x1;
	s26 =	smul.u32 $0x300, s26;
	_ =	swait.ge [sflag:s15], $0x3000  }
.Ltmp4:
0x72: {  	[sflag:s15] =	ssyncset.done $0x0;
	(pc) =	sbr.rel @!p0 .LBB2_6-.Ltmp4, $4  }
0x73: {  	s26 =	sadd.s32 s5, s26;
	[sflag:s15] =	ssyncadd.s32 $0xFFFFD000  }
0x74: {  	[hbm4b:s26+s3] =	stream.linear.scatter [tilespmem:s16], [sflag:$0x2], $0x3000, $0x38;
	[tilespmem:$0x3900] =	vst v63  }
0x75: {  	_ =	swait.ge [sflag:s12], $0x3000  }
0x76: {  	s25 =	sadd.s32 $0xFFFFFFFF, s25;
	[sflag:s12] =	ssyncset.done $0x0  }
.LBB2_5:
0x77: {  	[sflag:s12] =	ssyncadd.s32 $0xFFFFD000;
	s23 =	sadd.s32 $0x10, s23;
	s24 =	sadd.s32 $0x10, s24  }
0x78: {  	p0 =	sne.s32 s25, $0x1;
	s25 =	sadd.s32 $0xFFFFFFFF, s25;
	v6 =	vld [tilespmem:s23+$0x0];
	_ =	sdelay $0x4  }
0x79: {  	v7 =	vshrl.u32 v6, $0x3  }
0x7a: {  	v7 =	vmul.u32 $0x30, v7  }
0x7b: {  	v6 =	vand.u32 $0x7, v6  }
0x7c: {  	v6 =	vor.u32 v6, v7  }
0x7d: {  	v7 =	vperm.xlane v6, v3;
	v6 =	vperm.xlane v6, v5;
	_ =	sdelay $0x1  }
0x7e: {  	v7 =	vadd.s32 v4, v7;
	_ =	sdelay $0x4  }
0x7f: {  	[tilespmem:s16], [sflag:$0x1] =	stream.indirect_vreg.gather [hbm4b:s1+s3], $0x80, v7, vm0, $0xb8;
	[tilespmem:$0x3900] =	vst v63  }
0x80: {  	v6 =	vadd.s32 v4, v6  }
0x81: {  	[tilespmem:s17], [sflag:$0x1] =	stream.indirect_vreg.gather [hbm4b:s8+s3], $0x80, v7, vm0, $0xb8;
	[tilespmem:$0x3900] =	vst v63  }
0x82: {  	_ = 	snop  }
0x83: {  	[tilespmem:s18], [sflag:$0x1] =	stream.indirect_vreg.gather [hbm4b:s9+s3], $0x80, v7, vm0, $0xb8;
	[tilespmem:$0x3900] =	vst v63  }
0x84: {  	_ = 	snop  }
0x85: {  	[tilespmem:s19], [sflag:$0x1] =	stream.indirect_vreg.gather [hbm4b:s1+s3], $0x80, v6, vm0, $0xb8;
	[tilespmem:$0x3900] =	vst v63  }
0x86: {  	_ = 	snop  }
0x87: {  	[tilespmem:s20], [sflag:$0x1] =	stream.indirect_vreg.gather [hbm4b:s8+s3], $0x80, v6, vm0, $0xb8;
	[tilespmem:$0x3900] =	vst v63  }
0x88: {  	s26 =	sshrl.u32 s24, $0x3  }
0x89: {  	[tilespmem:s21], [sflag:$0x1] =	stream.indirect_vreg.gather [hbm4b:s9+s3], $0x80, v6, vm0, $0xb8;
	[tilespmem:$0x3900] =	vst v63  }
0x8a: {  	s26 =	smul.u32 $0x300, s26;
	_ =	swait.ge [sflag:s15], $0x3000  }
.Ltmp5:
0x8b: {  	[sflag:s15] =	ssyncset.done $0x0;
	(pc) =	sbr.rel @p0 .LBB2_5-.Ltmp5, $4  }
0x8c: {  	s26 =	sadd.s32 s5, s26;
	[sflag:s15] =	ssyncadd.s32 $0xFFFFD000  }
0x8d: {  	[hbm4b:s26+s3] =	stream.linear.scatter [tilespmem:s16], [sflag:$0x2], $0x3000, $0x38;
	[tilespmem:$0x3900] =	vst v63  }
0x8e: {  	_ =	swait.ge [sflag:s12], $0x3000  }
0x8f: {  	[sflag:s12] =	ssyncset.done $0x0  }
.Ltmp6:
0x90: {  	_ = 	snop;
	(pc) =	sbr.rel .LBB2_6-.Ltmp6, $1  }
0x91: {  	_ =	sdelay $0x3  }
.LBB2_8:
0x92: {  	_ =	sfence.sel $0x180000  }
0x93: {  	[bflag:$0x0] =	sbarrier.arrive $0xFFFF  }
0x94: {  	p0 =	sne.s32 s2, $0x0;
	_ =	strace $0x90000047  }
0x95: {  	s0 =	sadd.s32 @!p0 $0x100000, s0;
	[bflag:$0x2] =	sbarrier.arrive $0xFFFF  }
0x96: {  	[sflag:s0] =	ssyncadd.tile.s32 @!p0 $0x1;
	_ =	shalt  }
.Lfunc_end2:
_tile_overlayer_lowered:
.L_overlay_start_2:
0x97: {  	(tag) =	ssettag $0x2  }
0x98: {  	s0 =	rddreg [dreg:$0x0];
	s2 =	stileid.u32  }
0x99: {  	s1 =	rddreg [dreg:$0x1];
	p0 =	sne.s32 s2, $0x0  }
0x9a: {  	s3 =	rddreg [dreg:$0x2];
	[bflag:$0x3] =	sbarrier.arrive $0xFFFF;
	s2 =	simm.s32 @!p0 $0x1C02  }
0x9b: {  	[timem:s3], [sflag:s2] =	dma.local @!p0 [hbm:s0], s1  }
0x9c: {  	s0 =	simm.s32 @!p0 $0x2  }
0x9d: {  	_ =	swait.ge @!p0 [sflag:s0], s1  }
0x9e: {  	s1 =	ssub.s32 @!p0 $0x0, s1;
	[sflag:s0] =	ssyncset.done @!p0 $0x0  }
0x9f: {  	[sflag:s0] =	ssyncadd.s32 @!p0 s1  }
0xa0: {  	[bflag:$0x3] =	sbarrier.arrive $0xFFFF  }
0xa1: {  	_ =	shalt  }

// kernel: kernel.9.cloned.1.call-start
scs
__scs_entry_jumppad:
0x0: {  	(pc) =	sbr.rel $0x88, $3  }
0x1: {  	(tag) =	ssettag $0x0;
	lr =	simm.s32 $0x1  }
0x2: {  	[smem:$0x3F9A] =	sst lr;
	_ =	strace $0xD0000000  }
0x3: {  	_ = 	snop  }
0x4: {  	_ = 	snop  }
0x5: {  	_ = 	snop  }
0x6: {  	_ = 	snop  }
0x7: {  	_ = 	snop  }
__scs_overlays_trampoline_lowered:
0x8: {  	[smem:$0x3FA9] =	sst s0  }
0x9: {  	[smem:$0x3FAA] =	sst s1  }
0xa: {  	[smem:$0x3FAB] =	sst s2  }
0xb: {  	[smem:$0x3FAC] =	sst s3  }
0xc: {  	[smem:$0x3FAD] =	sst s4  }
0xd: {  	[smem:$0x3FAE] =	sst s5  }
0xe: {  	[smem:$0x3FAF] =	sst s6  }
0xf: {  	[smem:$0x3FB0] =	sst s7  }
0x10: {  	[smem:$0x3FB1] =	sst s8  }
0x11: {  	[smem:$0x3FB2] =	sst s9;
	s0 =	simm.s32 @!p0 $0x0  }
0x12: {  	s1 =	sld [smem:$0x3F98];
	s0 =	simm.s32 @p0 $0x1  }
0x13: {  	[smem:$0x3FB3] =	sst s0;
	s0 =	simm.s32 @!p1 $0x0  }
0x14: {  	s2 =	sld [smem:$0x3F97];
	s0 =	simm.s32 @p1 $0x1  }
0x15: {  	[smem:$0x3FB4] =	sst s0;
	s0 =	simm.s32 @!p2 $0x0  }
0x16: {  	s3 =	sld [smem:$0x3FDB];
	s0 =	simm.s32 @p2 $0x1  }
0x17: {  	s4 =	simm.s32 $0x1BF5;
	[smem:$0x3FB6] =	sst s0  }
0x18: {  	s0 =	sld [smem:$0x3F99];
	_ =	swait.ge [sflag:s4], $0x0  }
0x19: {  	s7 =	sld [smem:$0x3F9A]  }
0x1a: {  	s8 =	sadd.s32 $0xFFFFE003, lr  }
0x1b: {  	s9 =	sadd.s32 $0xFFFFFEF7, lr;
	s5 =	simm.s32 $0xFFFFFFFF;
	p2 =	slt.u32 s8, $0xFFFFF086  }
0x1c: {  	p1 =	slt.u32 s9, $0xF7A;
	s5 =	simm.s32 @!p2 $0x0  }
0x1d: {  	s5 =	simm.s32 @p1 $0x1;
	p0 =	seq.s32 s7, s2  }
0x1e: {  	s7 =	smul.u32 @!p0 $0xF7A, s2;
	p2 =	seq.s32 @!p0 s5, $0x0  }
0x1f: {  	s9 =	smul.u32 $0xF7A, s1;
	s8 =	simm.s32 @!p0 $0x1BF5;
	p2 =	por !p2, p0  }
0x20: {  	[sflag:s8] =	ssyncset.s32 @!p0 $0xFFFFF086;
	s6 =	sadd.s32 @!p0 s3, s7;
	s7 =	simm.s32 @!p0 $0x108  }
0x21: {  	s3 =	sadd.s32 s3, s9;
	s6 =	sadd.s32 @!p0 $0x88, s6;
	s7 =	simm.s32 @p2 $0x1082  }
0x22: {  	[simem:s7], [sflag:s8] =	dma.local @!p0 [hbm:s6], $0xF7A  }
0x23: {  	s9 =	sor.u32 $0xD0000000, s2;
	s6 =	simm.s32 $0x108;
	_ =	swait.ge @!p0 [sflag:s8], $0x0  }
0x24: {  	s3 =	sadd.s32 $0x88, s3;
	s6 =	simm.s32 @!p1 $0x1082;
	[sflag:s4] =	ssyncset.s32 $0xFFFFF086  }
0x25: {  	[simem:s6], [sflag:s4] =	dma.local [hbm:s3], $0xF7A  }
0x26: {  	[smem:$0x3F9A] =	sst s1;
	(tag) =	ssettag s2;
	_ =	strace s9  }
0x27: {  	s1 =	sld [smem:$0x3FAA]  }
0x28: {  	s2 =	sld [smem:$0x3FAB]  }
0x29: {  	s4 =	sld [smem:$0x3FAD]  }
0x2a: {  	p0 =	seq.s32 s5, $0x0;
	s5 =	sld [smem:$0x3FAE]  }
0x2b: {  	s6 =	sld [smem:$0x3FAF]  }
0x2c: {  	s7 =	sld [smem:$0x3FB0]  }
0x2d: {  	s3 =	simm.s32 $0x108;
	s8 =	sld [smem:$0x3FB1]  }
0x2e: {  	s3 =	simm.s32 @!p0 $0x1082;
	s9 =	sld [smem:$0x3FB2]  }
0x2f: {  	lr =	sadd.s32 s0, s3;
	s0 =	sld [smem:$0x3FA9]  }
0x30: {  	s3 =	sld [smem:$0x3FAC]  }
0x31: {  	[smem:$0x3FB5] =	sst s10  }
0x32: {  	s10 =	sld [smem:$0x3FB3];
	_ =	sdelay $0x3  }
0x33: {  	p0 =	seq.s32 s10, $0x1;
	s10 =	sld [smem:$0x3FB5];
	_ =	sdelay $0x3  }
0x34: {  	[smem:$0x3FB5] =	sst s10  }
0x35: {  	s10 =	sld [smem:$0x3FB4];
	_ =	sdelay $0x3  }
0x36: {  	p1 =	seq.s32 s10, $0x1;
	s10 =	sld [smem:$0x3FB5];
	_ =	sdelay $0x3  }
0x37: {  	[smem:$0x3FB5] =	sst s10  }
0x38: {  	s10 =	sld [smem:$0x3FB6]  }
0x39: {  	_ = 	snop;
	(pc) =	sbr.ind lr, $3  }
0x3a: {  	_ = 	snop  }
0x3b: {  	_ = 	snop  }
0x3c: {  	p2 =	seq.s32 s10, $0x1;
	s10 =	sld [smem:$0x3FB5]  }
0x3d: {  	_ =	shalt  }
0x3e: {  	_ =	shalt  }
0x3f: {  	_ =	shalt  }
0x40: {  	_ =	shalt  }
0x41: {  	_ =	shalt  }
0x42: {  	_ =	shalt  }
0x43: {  	_ =	shalt  }
0x44: {  	_ =	shalt  }
0x45: {  	_ =	shalt  }
0x46: {  	_ =	shalt  }
0x47: {  	_ =	shalt  }
0x48: {  	_ =	shalt  }
0x49: {  	_ =	shalt  }
0x4a: {  	_ =	shalt  }
0x4b: {  	_ =	shalt  }
0x4c: {  	_ =	shalt  }
0x4d: {  	_ =	shalt  }
0x4e: {  	_ =	shalt  }
0x4f: {  	_ =	shalt  }
0x50: {  	_ =	shalt  }
0x51: {  	_ =	shalt  }
0x52: {  	_ =	shalt  }
0x53: {  	_ =	shalt  }
0x54: {  	_ =	shalt  }
0x55: {  	_ =	shalt  }
0x56: {  	_ =	shalt  }
0x57: {  	_ =	shalt  }
0x58: {  	_ =	shalt  }
0x59: {  	_ =	shalt  }
0x5a: {  	_ =	shalt  }
0x5b: {  	_ =	shalt  }
0x5c: {  	_ =	shalt  }
0x5d: {  	_ =	shalt  }
0x5e: {  	_ =	shalt  }
0x5f: {  	_ =	shalt  }
0x60: {  	_ =	shalt  }
0x61: {  	_ =	shalt  }
0x62: {  	_ =	shalt  }
0x63: {  	_ =	shalt  }
0x64: {  	_ =	shalt  }
0x65: {  	_ =	shalt  }
0x66: {  	_ =	shalt  }
0x67: {  	_ =	shalt  }
0x68: {  	_ =	shalt  }
0x69: {  	_ =	shalt  }
0x6a: {  	_ =	shalt  }
0x6b: {  	_ =	shalt  }
0x6c: {  	_ =	shalt  }
0x6d: {  	_ =	shalt  }
0x6e: {  	_ =	shalt  }
0x6f: {  	_ =	shalt  }
0x70: {  	_ =	shalt  }
0x71: {  	_ =	shalt  }
0x72: {  	_ =	shalt  }
0x73: {  	_ =	shalt  }
0x74: {  	_ =	shalt  }
0x75: {  	_ =	shalt  }
0x76: {  	_ =	shalt  }
0x77: {  	_ =	shalt  }
0x78: {  	_ =	shalt  }
0x79: {  	_ =	shalt  }
0x7a: {  	_ =	shalt  }
0x7b: {  	_ =	shalt  }
0x7c: {  	_ =	shalt  }
0x7d: {  	_ =	shalt  }
0x7e: {  	_ =	shalt  }
0x7f: {  	_ =	shalt  }
0x80: {  	_ =	shalt  }
0x81: {  	_ =	shalt  }
0x82: {  	_ =	shalt  }
0x83: {  	_ =	shalt  }
0x84: {  	_ =	shalt  }
0x85: {  	_ =	shalt  }
0x86: {  	_ =	shalt  }
0x87: {  	_ =	shalt  }
.Lfunc_end0:
.L_simem_size_0:
called_computation.1_lowered:
.L_overlay_start_0:
0x88: {  	s2 =	sld [smem:$0x3FD9]  }
0x89: {  	s3 =	sld [smem:$0x3FFE];
	_ =	sdelay $0x1  }
0x8a: {  	s1 =	srdreg.scid  }
0x8b: {  	s0 =	sand.u32 $0x1, s1  }
0x8c: {  	s17 =	sshll.u32 s0, $0xA;
	s2 =	sadd.s32 s3, s2  }
0x8d: {  	s2 =	sadd.s32 s2, s17  }
0x8e: {  	[smem:$0x3FC1] =	sst s2  }
0x8f: {  	_ = 	snop  }
0x90: {  	s2 =	sld [smem:$0x3FD0];
	(tm) =	ssettm $0x1  }
0x91: {  	s18 =	sld [smem:$0x3FFB];
	_ =	sdelay $0x3  }
0x92: {  	_ =	strace s18  }
0x93: {  	s3 =	sld [smem:$0x3FFC];
	_ =	sdelay $0x3  }
0x94: {  	_ =	strace s3  }
0x95: {  	s3 =	sld [smem:$0x3FFD];
	_ =	sdelay $0x3  }
0x96: {  	_ =	strace s3  }
0x97: {  	_ =	strace $0x8FFFFFFF  }
0x98: {  	s19 =	sld [smem:$0x3FDB];
	_ =	sdelay $0x1  }
0x99: {  	s4 =	simm.s32 $_scs_section_size  }
0x9a: {  	s5 =	simm.s32 $_size__tile_overlayer_lowered;
	s6 =	simm.s32 $_tile_overlayer_lowered  }
0x9b: {  	s22 =	simm.s32 $0x1BFF;
	s21 =	sshll.u32 s6, $0x1;
	s3 =	sadd.s32 s4, s19  }
0x9c: {  	s7 =	simm.s32 $0x0;
	s20 =	sshll.u32 s5, $0x1;
	s5 =	sadd.s32 s21, s3  }
0x9d: {  	[timem:s7], [sflag:s22] =	dma.local [hbm:s5], s20  }
0x9e: {  	_ =	swait.ge [sflag:s22], s20  }
0x9f: {  	s4 =	ssub.s32 $0x0, s20;
	[sflag:s22] =	ssyncset.done $0x0  }
0xa0: {  	[sflag:s22] =	ssyncadd.s32 s4;
	_ =	sdelay $0x1  }
0xa1: {  	s23 =	simm.s32 $0x1B8B  }
0xa2: {  	_ =	swait.ge [sflag:s23], $0x1  }
0xa3: {  	[sflag:s23] =	ssyncset.done $0x0  }
0xa4: {  	s25 =	simm.s32 $0x1B8E;
	s24 =	sld [smem:$0x3FFE];
	[sflag:s23] =	ssyncadd.s32 $0xFFFFFFFF  }
0xa5: {  	s26 =	simm.s32 $execute0_lowered;
	[smem:$0x3FD2] =	sst s25  }
0xa6: {  	s5 =	sshll.u32 s26, $0x1;
	_ =	strace $0x80000049;
	[dreg:$0x1] =	wrdreg $0xFFFFFFFF  }
0xa7: {  	s28 =	simm.s32 $_size_execute0_lowered;
	s3 =	sadd.s32 s3, s5;
	[dreg:$0x0] =	wrdreg $0x0  }
0xa8: {  	s5 =	sshll.u32 s28, $0x1;
	[dreg:$0x2] =	wrdreg s3  }
0xa9: {  	[dreg:$0x3] =	wrdreg s5  }
0xaa: {  	[dreg:$0x4] =	wrdreg $0xC0  }
0xab: {  	_ =	task [dreg:s7], $0x5FFFF  }
0xac: {  	[dreg:$0x1] =	wrdreg $0xFFFFFFFF  }
0xad: {  	[dreg:$0x0] =	wrdreg $0x60  }
0xae: {  	[dreg:$0x2] =	wrdreg s24  }
0xaf: {  	[dreg:$0x3] =	wrdreg s2  }
0xb0: {  	[dreg:$0x4] =	wrdreg $0x9  }
0xb1: {  	_ =	task.clear_ibuf [dreg:s7], $0x5FFFF;
	_ =	strace $0x90000049  }
0xb2: {  	s29 =	simm.s32 $0x9;
	_ =	strace $0x8000004B  }
0xb3: {  	_ =	swait.ge [sflag:s29], $0x1  }
0xb4: {  	[sflag:s29] =	ssyncadd.s32 $0xFFFFFFFF  }
0xb5: {  	_ =	strace $0x9000004B  }
0xb6: {  	_ =	sfence  }
0xb7: {  	s30 =	sld [smem:$0x0];
	_ =	sdelay $0x2  }
0xb8: {  	s31 =	sshll.u32 s1, $0xD;
	s1 =	sshrl.u32 s1, $0x2  }
0xb9: {  	s3 =	sand.u32 $0x4000, s31;
	s1 =	sadd.s32 s1, s30  }
0xba: {  	s0 =	sor.u32 s3, s0;
	s1 =	sshll.u32 s1, $0x11  }
0xbb: {  	s0 =	sor.u32 s1, s0  }
0xbc: {  	s0 =	sadd.s32 $0x8F2B, s0  }
0xbd: {  	[sflag:s0] =	ssyncadd.remote.s32 $0x1  }
0xbe: {  	_ =	sfence.sel $0xFFFF  }
0xbf: {  	[dreg:$0x0] =	wrdreg $0xFFFFFFFF;
	(pc) =	sbr.abs _section_cstart, $3  }
0xc0: {  	[dreg:$0x1] =	wrdreg $0xFFFFFFFF  }
0xc1: {  	_ =	task.clear_ibuf [dreg:s7], $0x2FFFF;
	_ =	strace $0x9FFFFFFF  }
0xc2: {  	(tm) =	ssettm $0x7FFFFFFF  }
0xc3: {  	_ =	shalt  }
tec
execute0_lowered:
.L_overlay_start_1:
0x0: {  	(tag) =	ssettag $0x1  }
0x1: {  	s0 =	rddreg [dreg:$0x0]  }
0x2: {  	s2 =	rddreg [dreg:$0x1];
	s6 =	simm.s32 $0x0  }
0x3: {  	s19 =	simm.s32 $0x3000;
	[smem:$0x7FF] =	sst s6  }
0x4: {  	s20 =	simm.s32 $0x4080;
	_ =	strace $0x8000004A;
	[dreg:$0x3] =	wrdreg s19  }
0x5: {  	s21 =	simm.s32 $0x4880;
	[dreg:$0x1c] =	wrdreg s20  }
0x6: {  	s22 =	simm.s32 $0x5080;
	[dreg:$0x1d] =	wrdreg s21  }
0x7: {  	s23 =	simm.s32 $0x5880;
	[dreg:$0x1e] =	wrdreg s22  }
0x8: {  	s24 =	simm.s32 $0x6080;
	[dreg:$0x1f] =	wrdreg s23  }
0x9: {  	s25 =	simm.s32 $0x6880;
	[smem:$0x7DF] =	sst s24  }
0xa: {  	s26 =	simm.s32 $0x7080;
	[smem:$0x7E0] =	sst s25  }
0xb: {  	s28 =	simm.s32 $0x7880;
	[smem:$0x7E1] =	sst s26  }
0xc: {  	s29 =	simm.s32 $0x8080;
	[smem:$0x7E2] =	sst s28  }
0xd: {  	s30 =	simm.s32 $0x8880;
	[smem:$0x7E3] =	sst s29  }
0xe: {  	s8 =	simm.s32 $0x9880;
	[smem:$0x7E4] =	sst s30  }
0xf: {  	s10 =	simm.s32 $0xA080;
	[smem:$0x7E6] =	sst s8  }
0x10: {  	s12 =	sadd.s32 $0x1400, s0;
	[smem:$0x7E7] =	sst s10  }
0x11: {  	s11 =	simm.s32 $0xA880;
	[smem:$0x7E8] =	sst s12  }
0x12: {  	s13 =	simm.s32 $0xB080;
	[smem:$0x7E9] =	sst s11  }
0x13: {  	s14 =	simm.s32 $0xB880;
	[smem:$0x7EA] =	sst s13  }
0x14: {  	s16 =	simm.s32 $0xC080;
	[smem:$0x7EB] =	sst s14  }
0x15: {  	s17 =	simm.s32 $0xC880;
	[smem:$0x7EC] =	sst s16  }
0x16: {  	s18 =	simm.s32 $0xD080;
	[smem:$0x7EE] =	sst s17  }
0x17: {  	s7 =	sadd.s32 $0x30D600, s0;
	[smem:$0x7F0] =	sst s18  }
0x18: {  	s19 =	sadd.s32 $0x619600, s0;
	[smem:$0x7FB] =	sst s7  }
0x19: {  	s20 =	simm.s32 $0xD880;
	[smem:$0x7EF] =	sst s19  }
0x1a: {  	s22 =	simm.s32 $0xE080;
	[smem:$0x7F1] =	sst s20  }
0x1b: {  	s24 =	simm.s32 $0xE880;
	[smem:$0x7F2] =	sst s22  }
0x1c: {  	s25 =	simm.s32 $0xF080;
	[smem:$0x7F4] =	sst s24  }
0x1d: {  	s1 =	srdreg.scid;
	s26 =	simm.s32 $0xF880;
	[smem:$0x7F5] =	sst s25  }
0x1e: {  	s5 =	stileid.u32;
	s28 =	simm.s32 $0x10080;
	[smem:$0x7F6] =	sst s26  }
0x1f: {  	s1 =	sand.u32 $0x1, s1;
	s29 =	simm.s32 $0x10880;
	[smem:$0x7F7] =	sst s28  }
0x20: {  	s3 =	smul.u32 $0x180000, s1;
	s30 =	simm.s32 $0x11080;
	[smem:$0x7F8] =	sst s29  }
0x21: {  	s31 =	sshll.u32 s1, $0x4;
	s21 =	sadd.s32 $0x30D700, s0;
	[smem:$0x7F9] =	sst s30  }
0x22: {  	s1 =	ssub.s32 $0x2, s1;
	s23 =	sadd.s32 $0x30D800, s0;
	[smem:$0x7FC] =	sst s21  }
0x23: {  	v1 =	vimm.s32 $0x0;
	v2 =	vlaneseq.u32;
	vm3 =	vcmask $0x300;
	s4 =	smul.u32 $0x18000, s5;
	s15 =	sshrl.u32 s1, $0x1;
	[smem:$0x7FD] =	sst s23  }
0x24: {  	vm6 =	vcmask $0xB08;
	vm7 =	vcmask $0xF0C;
	vm11 =	vcmask $0x1310;
	s2 =	sadd.s32 s3, s2;
	s3 =	sor.u32 s5, s31;
	s31 =	simm.s32 $0x11880  }
0x25: {  	vm1 =	vcmask $0x1714;
	vm10 =	vcmask $0x1B18;
	vm9 =	vcmask $0x1F1C;
	s1 =	ssub.s32 s1, s15;
	s2 =	sadd.s32 s4, s2;
	[smem:$0x7FA] =	sst s31  }
0x26: {  	vm15 =	vcmask $0x2320;
	vm0 =	vcmask $0x2724;
	vm14 =	vcmask $0x2B28;
	s4 =	simm.s32 $0x9080;
	s9 =	sshll.u32 s3, $0x7;
	[dreg:$0x1b] =	wrdreg s2  }
0x27: {  	vm2 =	vmmov $0xffff;
	v6 =	vimm.s32 $0x0;
	vm5 =	vcmask $0x704;
	s1 =	smax.u32 s1, $0x1;
	[smem:$0x7E5] =	sst s4;
	s4 =	sadd.s32 s9, s0  }
0x28: {  	v3 =	vand.u32 $0x7, v2;
	v4 =	vshrl.u32 v2, $0x3;
	v6 =	vsel vm2, $0xFFFFFFFF, v6;
	[smem:$0x7F3] =	sst s1;
	s4 =	sadd.s32 $0x200, s4  }
0x29: {  	v5 =	vor.u32 $0x8, v2;
	s8 =	simm.s32 $0x2;
	v4 =	vmul.u32 $0x8, v4;
	[tilespmem:$0x1FFF0] =	vst v6;
	v0 =	vmov s3;
	s1 =	simm.s32 $0x0;
	[smem:$0x7ED] =	sst s4  }
.LBB2_1:
0x2a: {  	s0 =	sld [smem:$0x7ED];
	_ =	sdelay $0x1  }
0x2b: {  	[smem:$0x7DE] =	sst s1;
	s23 =	simm.s32 $0x3400  }
0x2c: {  	[tilespmem:s23], [sflag:$0x2] =	stream.linear.gather [hbm4b:s0+s6], $0x400, $0x38;
	[tilespmem:$0x1B880] =	vst v63  }
0x2d: {  	_ =	swait.ge [sflag:s8], $0x400  }
0x2e: {  	s24 =	sld [smem:$0x7E8]  }
0x2f: {  	[sflag:s8] =	ssyncset.done $0x0  }
0x30: {  	s25 =	simm.s32 $0x3800;
	[sflag:s8] =	ssyncadd.s32 $0xFFFFFC00  }
0x31: {  	[tilespmem:s25], [sflag:$0x2] =	stream.linear.gather [hbm4b:s24+s6], $0x80, $0x38;
	[tilespmem:$0x1B880] =	vst v63  }
0x32: {  	_ =	swait.ge [sflag:s8], $0x80  }
0x33: {  	s26 =	sld [smem:$0x7EF]  }
0x34: {  	[sflag:s8] =	ssyncset.done $0x0  }
0x35: {  	[sflag:s8] =	ssyncadd.s32 $0xFFFFFF80  }
0x36: {  	[tilespmem:s6], [sflag:$0x2] =	stream.linear.gather [hbm4b:s26+s6], $0x3000, $0x38;
	[tilespmem:$0x1B880] =	vst v63  }
0x37: {  	_ =	swait.ge [sflag:s8], $0x3000  }
0x38: {  	[sflag:s8] =	ssyncset.done $0x0  }
0x39: {  	s28 =	simm.s32 $0x0;
	[sflag:s8] =	ssyncadd.s32 $0xFFFFD000  }
0x3a: {  	v6 =	vld [tilespmem:s28+$0x3400]  }
0x3b: {  	s29 =	simm.s32 $0x10  }
0x3c: {  	s30 =	simm.s32 $0x20;
	v7 =	vld [tilespmem:s29+$0x3400]  }
0x3d: {  	v8 =	vld [tilespmem:s30+$0x3400];
	_ =	sdelay $0x1  }
0x3e: {  	vm12 =	vmmov vm10;
	vm10 =	vmmov vm1;
	vm1 =	vgt.f32 v6, $0.0e+00  }
0x3f: {  	v6 =	vmpcnt.ones.xlane vm1  }
0x40: {  	vm1 =	vgt.f32 v7, $0.0e+00  }
0x41: {  	v7 =	vmpcnt.ones.xlane vm1;
	vm1 =	vgt.f32 v8, $0.0e+00;
	(v2sf) =	vpush v6, $0x0  }
0x42: {  	v8 =	vmpcnt.ones.xlane vm1  }
0x43: {  	(v2sf) =	vpush v7, $0x0  }
0x44: {  	(v2sf) =	vpush v8, $0x0;
	_ =	sdelay $0x5  }
0x45: {  	s31 =	simm.s32 $0x30  }
0x46: {  	v6 =	vld [tilespmem:s31+$0x3400]  }
0x47: {  	vm4 =	vmmov vm14;
	vm13 =	vmmov vm9  }
0x48: {  	vm14 =	vmmov vm11;
	vm11 =	vmmov vm7;
	vm9 =	vmmov vm6;
	s1 =	simm.s32 $0x100;
	s0 =	simm.s32 $0x0;
	v9 =	vld.idx.msk [tilespmem:v0+s25+$0x0], $0xffff  }
.LBB2_2:
0x49: {  	p0 =	sne.s32 s1, $0xFC0  }
.Ltmp0:
0x4a: {  	s2 =	sshra.s32 s1, $0x2;
	(pc) =	sbr.rel @p0 .LBB2_2-.Ltmp0, $3  }
0x4b: {  	s1 =	sadd.s32 $0x40, s1;
	s3 =	spop (v2sf);
	vm1 =	vgt.f32 v6, $0.0e+00  }
0x4c: {  	s0 =	sadd.s32 s0, s3;
	v6 =	vld [tilespmem:s2+$0x3400];
	v7 =	vmpcnt.ones.xlane vm1;
	_ =	sdelay $0x1  }
0x4d: {  	(v2sf) =	vpush v7, $0x0  }
0x4e: {  	_ =	sdelay $0x1  }
0x4f: {  	vm1 =	vgt.f32 v6, $0.0e+00  }
0x50: {  	v6 =	vmpcnt.ones.xlane vm1;
	_ =	sdelay $0x1  }
0x51: {  	(v2sf) =	vpush v6, $0x0;
	_ =	sdelay $0xb  }
0x52: {  	s1 =	spop (v2sf)  }
0x53: {  	s0 =	sadd.s32 s0, s1;
	s19 =	spop (v2sf)  }
0x54: {  	s0 =	sadd.s32 s0, s19;
	s20 =	spop (v2sf)  }
0x55: {  	s0 =	sadd.s32 s0, s20;
	s21 =	spop (v2sf)  }
0x56: {  	s0 =	sadd.s32 s0, s21  }
0x57: {  	s1 =	sand.u32 $0xF, s0  }
0x58: {  	s2 =	sshra.s32 s0, $0x1F;
	p0 =	slt.s32 s0, $0x1;
	p1 =	sne.s32 s1, $0x0  }
0x59: {  	s22 =	sshrl.u32 s2, $0x1C;
	p0 =	por !p0, !p1  }
0x5a: {  	s2 =	simm.s32 $0x1;
	s1 =	sadd.s32 s22, s0;
	p0 =	por !p0, !p0  }
0x5b: {  	s1 =	sshrl.u32 s1, $0x4;
	s2 =	simm.s32 @!p0 $0x0  }
0x5c: {  	s1 =	ssub.s32 s1, s2  }
0x5d: {  	s1 =	sshll.u32 s1, $0x4  }
0x5e: {  	s1 =	sadd.s32 $0x10, s1  }
0x5f: {  	s3 =	ssub.s32 s1, s0;
	p0 =	seq.s32 s1, s0  }
0x60: {  	s3 =	simm.s32 @p0 $0x1  }
0x61: {  	(v2sf) =	vpush v9, $0x0;
	v6 =	vmov s3  }
0x62: {  	(v2sf) =	vpush v6, $0xD  }
0x63: {  	(v2sf) =	vpush v6, $0xC  }
0x64: {  	(v2sf) =	vpush v6, $0x8  }
0x65: {  	(v2sf) =	vpush v6, $0xF  }
0x66: {  	(v2sf) =	vpush v6, $0x7  }
0x67: {  	(v2sf) =	vpush v6, $0x9  }
0x68: {  	(v2sf) =	vpush v6, $0xE  }
0x69: {  	(v2sf) =	vpush v6, $0x6  }
0x6a: {  	(v2sf) =	vpush v6, $0x5  }
0x6b: {  	(v2sf) =	vpush v6, $0x4  }
0x6c: {  	(v2sf) =	vpush v6, $0x0  }
0x6d: {  	(v2sf) =	vpush v6, $0x3  }
0x6e: {  	s23 =	simm.s32 $0x0;
	(v2sf) =	vpush v6, $0x2  }
0x6f: {  	v7 =	vor.u32 s23, v2;
	(v2sf) =	vpush v6, $0x1  }
0x70: {  	s6 =	spop (v2sf);
	(v2sf) =	vpush v7, $0xE  }
0x71: {  	(v2sf) =	vpush v7, $0xC;
	s4 =	spop (v2sf)  }
0x72: {  	(v2sf) =	vpush v7, $0x9;
	s12 =	spop (v2sf)  }
0x73: {  	(v2sf) =	vpush v7, $0x6;
	s10 =	spop (v2sf)  }
0x74: {  	s8 =	spop (v2sf);
	(v2sf) =	vpush v7, $0x1  }
0x75: {  	(v2sf) =	vpush v7, $0x0;
	s2 =	spop (v2sf)  }
0x76: {  	(v2sf) =	vpush v7, $0x2;
	s7 =	spop (v2sf)  }
0x77: {  	s1 =	spop (v2sf)  }
0x78: {  	s13 =	spop (v2sf)  }
0x79: {  	(v2sf) =	vpush v7, $0x3;
	s11 =	spop (v2sf)  }
0x7a: {  	s14 =	spop (v2sf)  }
0x7b: {  	s16 =	spop (v2sf)  }
0x7c: {  	s15 =	spop (v2sf)  }
0x7d: {  	s17 =	spop (v2sf)  }
0x7e: {  	s18 =	spop (v2sf)  }
0x7f: {  	s31 =	sadd.s32 s6, s0;
	s5 =	spop (v2sf)  }
0x80: {  	p0 =	slt.s32 s3, $0x0;
	s24 =	sshra.s32 s12, $0x1F;
	(v2sf) =	vpush v7, $0x4;
	s19 =	spop (v2sf)  }
0x81: {  	s25 =	sxor.u32 s24, s12;
	s26 =	sshra.s32 s13, $0x1F;
	s9 =	spop (v2sf)  }
0x82: {  	s0 =	ssub.s32 s25, s24;
	s13 =	sxor.u32 s26, s13;
	s20 =	spop (v2sf)  }
0x83: {  	s13 =	ssub.s32 s13, s26;
	s26 =	sshra.s32 s15, $0x1F;
	s22 =	spop (v2sf)  }
0x84: {  	s23 =	sshra.s32 s17, $0x1F;
	s15 =	sxor.u32 s26, s15;
	(v2sf) =	vpush v7, $0x5;
	s12 =	spop (v2sf)  }
0x85: {  	s17 =	sxor.u32 s23, s17;
	s15 =	ssub.s32 s15, s26;
	s21 =	spop (v2sf)  }
0x86: {  	s26 =	sshra.s32 s16, $0x1F;
	s6 =	ssub.s32 s17, s23;
	(v2sf) =	vpush v7, $0xF;
	s3 =	sshra.s32 s21, $0x1F  }
0x87: {  	s16 =	sxor.u32 s26, s16;
	s30 =	sshra.s32 s20, $0x1F;
	s24 =	sxor.u32 s3, s21  }
0x88: {  	(v2sf) =	vpush v7, $0x7;
	s25 =	spop (v2sf);
	s17 =	ssub.s32 s24, s3;
	s24 =	simm.s32 $0x3400  }
0x89: {  	(drf) =	srem.u32 s17, s6;
	s6 =	sshra.s32 s25, $0x1F;
	v8 =	vld [tilespmem:s24+$0x0];
	s24 =	sshra.s32 s18, $0x1F  }
0x8a: {  	s17 =	ssub.s32 s16, s26;
	s16 =	sshra.s32 s10, $0x1F;
	s21 =	sxor.u32 s6, s25  }
0x8b: {  	(v2sf) =	vpush v7, $0x8;
	s25 =	sshra.s32 s14, $0x1F;
	s10 =	sxor.u32 s16, s10;
	s21 =	ssub.s32 s21, s6  }
0x8c: {  	s14 =	sxor.u32 s25, s14;
	s10 =	ssub.s32 s10, s16;
	(drf) =	srem.u32 s21, s15  }
0x8d: {  	s15 =	sxor.u32 s24, s18;
	s21 =	sshra.s32 s19, $0x1F;
	s14 =	ssub.s32 s14, s25  }
0x8e: {  	s25 =	sxor.u32 s21, s19;
	[dreg:$0x6] =	wrdreg s21;
	s15 =	ssub.s32 s15, s24  }
0x8f: {  	s24 =	sshra.s32 s1, $0x1F;
	s26 =	ssub.s32 s25, s21;
	s18 =	spop (v2sf)  }
0x90: {  	s25 =	sxor.u32 s30, s20;
	s20 =	sshra.s32 s22, $0x1F;
	s1 =	sxor.u32 s24, s1  }
0x91: {  	(drf) =	srem.u32 s26, s0;
	s26 =	sshra.s32 s12, $0x1F;
	s21 =	ssub.s32 s25, s30  }
0x92: {  	s19 =	sshra.s32 s18, $0x1F;
	s22 =	sxor.u32 s20, s22;
	(drf) =	srem.u32 s21, s13  }
0x93: {  	s0 =	spop (v2sf);
	s12 =	sxor.u32 s26, s12;
	[dreg:$0x7] =	wrdreg s19  }
0x94: {  	s25 =	sxor.u32 s19, s18;
	s22 =	ssub.s32 s22, s20;
	[dreg:$0xb] =	wrdreg s26  }
0x95: {  	vm1 =	vgt.f32 v8, $0.0e+00;
	s21 =	sshra.s32 s11, $0x1F;
	s23 =	spop (v2sf);
	s13 =	ssub.s32 s25, s19  }
0x96: {  	(v2sf) =	vpush v7, $0xA;
	v8 =	vmpcnt.ones.xlane vm1;
	(drf) =	srem.u32 s22, s15;
	s12 =	ssub.s32 s12, s26;
	s22 =	sshra.s32 s7, $0x1F  }
0x97: {  	(v2sf) =	vpush v7, $0xB;
	s11 =	sxor.u32 s21, s11;
	s25 =	sshra.s32 s0, $0x1F;
	s15 =	spop (v2sf)  }
0x98: {  	(v2sf) =	vpush v8, $0x0;
	(drf) =	srem.u32 s13, s14;
	s7 =	sxor.u32 s22, s7;
	s14 =	ssub.s32 s11, s21  }
0x99: {  	(v2sf) =	vpush v7, $0xD;
	s0 =	sxor.u32 s25, s0;
	[dreg:$0xc] =	wrdreg s25;
	s21 =	sshra.s32 s23, $0x1F  }
0x9a: {  	s26 =	spop (v2sf);
	(v2sf) =	vpush v6, $0xA;
	(drf) =	srem.u32 s12, s17;
	s12 =	sshra.s32 s8, $0x1F  }
0x9b: {  	s7 =	ssub.s32 s7, s22;
	s0 =	ssub.s32 s0, s25;
	s28 =	sshra.s32 s26, $0x1F  }
0x9c: {  	s25 =	sxor.u32 s21, s23;
	s22 =	ssub.s32 s1, s24;
	(v2sf) =	vpush v6, $0xB;
	s18 =	sxor.u32 s28, s26  }
0x9d: {  	s8 =	sxor.u32 s12, s8;
	s26 =	sshra.s32 s2, $0x1F;
	s19 =	ssub.s32 s18, s28  }
0x9e: {  	s8 =	ssub.s32 s8, s12;
	(drf) =	srem.u32 s19, s10;
	s10 =	sshra.s32 s9, $0x1F  }
0x9f: {  	s17 =	sxor.u32 s26, s2;
	s19 =	spop (drf);
	[dreg:$0x8] =	wrdreg s10  }
0xa0: {  	s18 =	sxor.u32 s10, s9;
	(drf) =	srem.u32 s0, s14;
	s11 =	spop (drf)  }
0xa1: {  	s0 =	sxor.u32 s3, s19;
	s2 =	ssub.s32 s18, s10;
	s10 =	ssub.s32 s17, s26  }
0xa2: {  	s1 =	spop (drf);
	s17 =	sshra.s32 s4, $0x1F;
	s19 =	ssub.s32 s0, s3  }
0xa3: {  	s3 =	smov.u32 s20;
	(drf) =	srem.u32 s2, s7;
	s2 =	ssub.s32 s25, s21  }
0xa4: {  	s25 =	sshra.s32 s15, $0x1F;
	s26 =	sxor.u32 s17, s4;
	(drf) =	srem.u32 s2, s8  }
0xa5: {  	s15 =	sxor.u32 s25, s15;
	s2 =	sxor.u32 s6, s11;
	s7 =	spop (v2sf)  }
0xa6: {  	s26 =	ssub.s32 s26, s17;
	s8 =	ssub.s32 s15, s25;
	s9 =	spop (v2sf)  }
0xa7: {  	s13 =	ssub.s32 s2, s6;
	(drf) =	srem.u32 s8, s10;
	s14 =	spop (v2sf)  }
0xa8: {  	s10 =	sshra.s32 s5, $0x1F;
	s23 =	sshra.s32 s7, $0x1F;
	s24 =	spop (v2sf)  }
0xa9: {  	v8 =	vsel vm1, $0x1, v1;
	[dreg:$0x9] =	wrdreg s10;
	s29 =	sshra.s32 s9, $0x1F;
	s16 =	spop (v2sf)  }
0xaa: {  	(xrf0) =	vadd.scan.msk.s32 $0xffff, v8;
	s11 =	sxor.u32 s29, s9;
	s9 =	simm.s32 $0x10;
	s18 =	sshra.s32 s16, $0x1F  }
0xab: {  	vm2 =	vmxor vm2, vm2;
	v8 =	vmov s31;
	s31 =	sshra.s32 s24, $0x1F;
	s15 =	spop (v2sf);
	s8 =	sxor.u32 s18, s16  }
0xac: {  	v10 =	vimm.s32 $0x0;
	vm2 =	vmneg @p0 vm2;
	s16 =	spop (drf);
	s12 =	sshra.s32 s15, $0x1F;
	s6 =	ssub.s32 s8, s18  }
0xad: {  	v10 =	vsel vm2, $0xFFFFFFFF, v10;
	s8 =	sxor.u32 s23, s7;
	s18 =	sadd.s32 $0x0, s14;
	s14 =	sxor.u32 s10, s5  }
0xae: {  	s5 =	ssub.s32 s11, s29;
	s0 =	sxor.u32 s12, s15;
	s17 =	spop (drf)  }
0xaf: {  	vm6 =	vmmov vm12;
	vm7 =	vmmov vm0;
	vm8 =	vmmov vm4;
	s7 =	sxor.u32 s30, s16;
	s8 =	ssub.s32 s8, s23;
	s10 =	ssub.s32 s14, s10  }
0xb0: {  	vm12 =	vcmask $0x2F2C;
	vm0 =	vcmask $0x3330;
	v9 =	vadd.s32 $0xFFFFFFFF, v9;
	[tilespmem:$0x1FFE0] =	vst v10;
	v10, _, _ =	vpop (xrf0);
	s14 =	sxor.u32 s20, s17;
	s20 =	simm.s32 $0x3410;
	s17 =	simm.s32 $0x0  }
.LBB2_4:
0xb1: {  	s0 =	ssub.s32 s0, s12  }
0xb2: {  	s4 =	sxor.u32 s31, s24;
	s15 =	spop (drf);
	s2 =	smov.u32 s20  }
0xb3: {  	s12 =	smov.u32 s9;
	s11 =	sadd.s32 $0x10, s9;
	[dreg:$0x10] =	wrdreg s2  }
0xb4: {  	s24 =	smov.u32 s17;
	s17 =	ssub.s32 s7, s30;
	[dreg:$0x4] =	wrdreg s11  }
0xb5: {  	(v2sf) =	vpush v6, $0xD;
	s4 =	ssub.s32 s4, s31;
	s7 =	spop (drf);
	s2 =	rddreg [dreg:$0xb]  }
0xb6: {  	p0 =	sne.s32 s9, $0x3F0;
	s16 =	spop (drf);
	(drf) =	srem.u32 s4, s26  }
0xb7: {  	(v2sf) =	vpush v6, $0xC;
	s7 =	sxor.u32 s2, s7;
	s26 =	spop (drf);
	(drf) =	srem.u32 s10, s22  }
0xb8: {  	s11 =	sxor.u32 s28, s16;
	s16 =	ssub.s32 s7, s2;
	s22 =	rddreg [dreg:$0xc]  }
0xb9: {  	(v2sf) =	vpush v6, $0x8;
	s10 =	spop (drf);
	s2 =	ssub.s32 s11, s28;
	s11 =	smov.u32 s18  }
0xba: {  	(v2sf) =	vpush v6, $0xF;
	(drf) =	srem.u32 s5, s0;
	s26 =	sxor.u32 s22, s26;
	[dreg:$0xa] =	wrdreg s11  }
0xbb: {  	s0 =	ssub.s32 s26, s22;
	s26 =	rddreg [dreg:$0x6];
	s9 =	spop (drf)  }
0xbc: {  	(v2sf) =	vpush v6, $0x7;
	s22 =	spop (drf);
	(drf) =	srem.u32 s8, s6  }
0xbd: {  	s11 =	rddreg [dreg:$0x8];
	s1 =	sxor.u32 s26, s1;
	s4 =	sxor.u32 s21, s9  }
0xbe: {  	(v2sf) =	vpush v6, $0x9;
	s1 =	ssub.s32 s1, s26;
	s26 =	rddreg [dreg:$0x9];
	s4 =	ssub.s32 s4, s21  }
0xbf: {  	(v2sf) =	vpush v6, $0xE;
	s9 =	ssub.s32 s14, s3;
	s14 =	sxor.u32 s11, s10;
	s21 =	rddreg [dreg:$0x7];
	v11 =	vmov s4  }
0xc0: {  	s5 =	sxor.u32 s25, s22;
	s6 =	ssub.s32 s14, s11;
	s22 =	sxor.u32 s21, s15;
	v11 =	vsel vm3, s16, v11  }
0xc1: {  	(v2sf) =	vpush v6, $0x6;
	s5 =	ssub.s32 s5, s25;
	s4 =	ssub.s32 s22, s21;
	s16 =	spop (drf);
	v11 =	vsel vm5, s9, v11  }
0xc2: {  	s25 =	spop (drf);
	v11 =	vsel vm9, s19, v11;
	s7 =	sxor.u32 s31, s16;
	s16 =	sadd.s32 $0x10, s20  }
0xc3: {  	(v2sf) =	vpush v6, $0x5;
	s8 =	sxor.u32 s26, s25;
	v11 =	vsel vm11, s13, v11;
	s7 =	ssub.s32 s7, s31;
	s3 =	spop (drf)  }
0xc4: {  	(v2sf) =	vpush v6, $0x4;
	[dreg:$0x5] =	wrdreg s16;
	s31 =	smov.u32 s18;
	v11 =	vsel vm14, s4, v11;
	s14 =	spop (v2sf)  }
0xc5: {  	(v2sf) =	vpush v6, $0x0;
	s8 =	ssub.s32 s8, s26;
	s9 =	sxor.u32 s29, s3;
	v11 =	vsel vm10, s0, v11;
	s11 =	spop (drf)  }
0xc6: {  	s10 =	ssub.s32 s9, s29;
	v11 =	vsel vm6, s17, v11;
	s15 =	sshra.s32 s14, $0x1F;
	s17 =	spop (v2sf)  }
0xc7: {  	(v2sf) =	vpush v6, $0x3;
	v11 =	vsel vm13, s5, v11;
	s13 =	sxor.u32 s23, s11;
	[dreg:$0xe] =	wrdreg s15;
	s19 =	sshra.s32 s17, $0x1F  }
0xc8: {  	(v2sf) =	vpush v6, $0x2;
	s4 =	sxor.u32 s15, s14;
	s20 =	spop (v2sf);
	v11 =	vsel vm15, s2, v11;
	s2 =	ssub.s32 s13, s23  }
0xc9: {  	(v2sf) =	vpush v6, $0x1;
	[dreg:$0xd] =	wrdreg s4;
	s21 =	sshra.s32 s20, $0x1F;
	s26 =	spop (v2sf)  }
0xca: {  	v12 =	vor.u32 s12, v2;
	s5 =	sxor.u32 s19, s17;
	v11 =	vsel vm7, s6, v11;
	s3 =	sshra.s32 s26, $0x1F;
	s6 =	rddreg [dreg:$0x10]  }
0xcb: {  	(v2sf) =	vpush v12, $0xE;
	s11 =	spop (v2sf);
	s0 =	ssub.s32 s5, s19;
	v11 =	vsel vm8, s2, v11;
	s2 =	rddreg [dreg:$0x3]  }
0xcc: {  	(v2sf) =	vpush v12, $0xC;
	s4 =	sxor.u32 s21, s20;
	s22 =	sshra.s32 s11, $0x1F;
	[dreg:$0x11] =	wrdreg s0  }
0xcd: {  	s23 =	spop (v2sf);
	s25 =	sxor.u32 s3, s26;
	[dreg:$0x13] =	wrdreg s22  }
0xce: {  	(v2sf) =	vpush v12, $0x9;
	v11 =	vsel vm12, s10, v11;
	s10 =	sshra.s32 s23, $0x1F;
	s26 =	spop (v2sf);
	s15 =	sxor.u32 s22, s11  }
0xcf: {  	v14 =	vld [tilespmem:$0x1FFE0];
	v13 =	vadd.s32 s24, v9;
	(v2sf) =	vpush v12, $0x6;
	s24 =	ssub.s32 s25, s3;
	v11 =	vsel vm0, s1, v11;
	s1 =	ssub.s32 s4, s21;
	[dreg:$0x12] =	wrdreg s15  }
0xd0: {  	(v2sf) =	vpush v12, $0x1;
	s13 =	sshra.s32 s26, $0x1F;
	s4 =	spop (v2sf);
	[dreg:$0x14] =	wrdreg s24  }
0xd1: {  	vm2 =	vcmask $0x3734;
	(v2sf) =	vpush v12, $0x0;
	s0 =	sxor.u32 s10, s23;
	[dreg:$0xf] =	wrdreg s1;
	s9 =	sshra.s32 s4, $0x1F  }
0xd2: {  	vm4 =	vcmask $0x3B38;
	(v2sf) =	vpush v12, $0x2;
	v11 =	vsel vm2, s7, v11;
	s16 =	spop (v2sf);
	[dreg:$0x15] =	wrdreg s0;
	s14 =	sxor.u32 s13, s26  }
0xd3: {  	(v2sf) =	vpush v12, $0x3;
	v11 =	vsel vm4, s8, v11;
	s11 =	sshra.s32 s16, $0x1F;
	s17 =	spop (v2sf);
	[dreg:$0x16] =	wrdreg s14  }
0xd4: {  	vm2 =	vnez.u8 v14;
	vm4 =	vmmov vm3;
	s1 =	sxor.u32 s9, s4;
	vm3 =	vne.s32 v11, $0x0;
	s12 =	sshra.s32 s17, $0x1F;
	s15 =	spop (v2sf)  }
0xd5: {  	v13 =	vbroadcast v13, $0x0;
	(v2sf) =	vpush v12, $0x4;
	s1 =	ssub.s32 s1, s9;
	s22 =	sxor.u32 s11, s16;
	vm3 =	vmand vm2, vm3;
	s21 =	sshra.s32 s15, $0x1F  }
0xd6: {  	v11 =	vadd.s32 v8, v11;
	s26 =	spop (v2sf);
	[dreg:$0x18] =	wrdreg s1;
	s0 =	sxor.u32 s12, s17;
	v63 =	vnsel vm3, $0x0, v6  }
0xd7: {  	v10 =	vadd.s32 v13, v10;
	(v2sf) =	vpush v12, $0x5;
	s20 =	sshra.s32 s26, $0x1F;
	s9 =	spop (v2sf);
	s0 =	ssub.s32 s0, s12;
	v11 =	vadd.s32 v63, v11  }
0xd8: {  	s19 =	sshra.s32 s9, $0x1F;
	s23 =	spop (v2sf);
	s25 =	sxor.u32 s20, s26;
	v10 =	vsel vm1, v10, v11  }
0xd9: {  	s26 =	ssub.s32 s22, s11;
	[dreg:$0x19] =	wrdreg s0;
	s3 =	sshra.s32 s23, $0x1F;
	[tilespmem:v7+s2+$0x0] =	vst.idx.msk $0xffff, v10;
	v7 =	vmov v12  }
0xda: {  	s5 =	spop (v2sf);
	[dreg:$0x17] =	wrdreg s26;
	s1 =	sxor.u32 s19, s9;
	(v2sf) =	vpush v7, $0xF;
	v10 =	vld [tilespmem:s6+$0x0]  }
0xdb: {  	s9 =	sxor.u32 s21, s15;
	s7 =	ssub.s32 s25, s20;
	s8 =	spop (v2sf);
	(v2sf) =	vpush v7, $0x7  }
0xdc: {  	s28 =	sxor.u32 s3, s23;
	s2 =	sshra.s32 s5, $0x1F;
	s21 =	ssub.s32 s9, s21  }
0xdd: {  	s29 =	ssub.s32 s1, s19;
	s23 =	spop (v2sf);
	[dreg:$0x1a] =	wrdreg s21;
	(v2sf) =	vpush v7, $0x8  }
0xde: {  	s3 =	ssub.s32 s28, s3;
	[dreg:$0x9] =	wrdreg s2;
	s6 =	spop (v2sf)  }
0xdf: {  	s18 =	sshra.s32 s23, $0x1F;
	s30 =	sshra.s32 s6, $0x1F;
	s24 =	spop (v2sf);
	(v2sf) =	vpush v7, $0xA;
	vm1 =	vgt.f32 v10, $0.0e+00  }
0xe0: {  	s23 =	sxor.u32 s18, s23;
	[dreg:$0x8] =	wrdreg s18;
	s14 =	spop (v2sf);
	(v2sf) =	vpush v7, $0xB;
	v11 =	vmpcnt.ones.xlane vm1  }
0xe1: {  	s16 =	sxor.u32 s30, s6;
	s4 =	spop (v2sf);
	s25 =	sshra.s32 s14, $0x1F  }
0xe2: {  	s16 =	ssub.s32 s16, s30;
	s0 =	sshra.s32 s4, $0x1F;
	s22 =	spop (v2sf);
	(v2sf) =	vpush v11, $0x0  }
0xe3: {  	s20 =	sxor.u32 s25, s14;
	[dreg:$0xb] =	wrdreg s25;
	s26 =	sshra.s32 s22, $0x1F  }
0xe4: {  	s11 =	spop (v2sf);
	s6 =	ssub.s32 s20, s25;
	s28 =	sxor.u32 s0, s4  }
0xe5: {  	s4 =	ssub.s32 s23, s18;
	s1 =	sxor.u32 s26, s22;
	s17 =	sshra.s32 s11, $0x1F  }
0xe6: {  	s22 =	sshra.s32 s8, $0x1F;
	s1 =	ssub.s32 s1, s26;
	s19 =	spop (v2sf)  }
0xe7: {  	s11 =	sxor.u32 s17, s11;
	[dreg:$0x7] =	wrdreg s17;
	s8 =	sxor.u32 s22, s8  }
0xe8: {  	[dreg:$0x6] =	wrdreg s22;
	s15 =	sshra.s32 s19, $0x1F;
	s12 =	ssub.s32 s11, s17  }
0xe9: {  	(v2sf) =	vpush v7, $0xD;
	s11 =	sshra.s32 s24, $0x1F;
	s8 =	ssub.s32 s8, s22;
	s9 =	spop (v2sf)  }
0xea: {  	s17 =	sxor.u32 s15, s19;
	[dreg:$0xc] =	wrdreg s15;
	s19 =	spop (v2sf)  }
0xeb: {  	s18 =	sxor.u32 s11, s24;
	s15 =	ssub.s32 s17, s15;
	s25 =	sshra.s32 s19, $0x1F  }
0xec: {  	s21 =	sshra.s32 s9, $0x1F;
	s20 =	spop (v2sf);
	s17 =	sxor.u32 s25, s19  }
0xed: {  	(v2sf) =	vpush v6, $0xA;
	s14 =	ssub.s32 s17, s25;
	s17 =	ssub.s32 s28, s0;
	s28 =	sshra.s32 s20, $0x1F  }
0xee: {  	(v2sf) =	vpush v6, $0xB;
	s19 =	sxor.u32 s28, s20;
	s20 =	spop (v2sf);
	(drf) =	srem.u32 s17, s29  }
0xef: {  	s24 =	spop (v2sf);
	s23 =	sshra.s32 s20, $0x1F;
	(drf) =	srem.u32 s1, s7  }
0xf0: {  	s29 =	sshra.s32 s24, $0x1F;
	s22 =	sxor.u32 s23, s20;
	s20 =	rddreg [dreg:$0x5]  }
0xf1: {  	s17 =	spop (v2sf);
	s1 =	sxor.u32 s29, s24;
	s24 =	rddreg [dreg:$0x11]  }
0xf2: {  	(drf) =	srem.u32 s8, s24;
	s8 =	ssub.s32 s22, s23;
	s22 =	rddreg [dreg:$0x18]  }
0xf3: {  	s7 =	ssub.s32 s18, s11;
	(drf) =	srem.u32 s16, s22;
	s22 =	rddreg [dreg:$0x16]  }
0xf4: {  	s18 =	smov.u32 s31;
	(drf) =	srem.u32 s7, s3;
	s7 =	rddreg [dreg:$0x12]  }
0xf5: {  	s18 =	sadd.s32 s18, s17;
	s22 =	ssub.s32 s22, s13;
	s13 =	rddreg [dreg:$0x13]  }
0xf6: {  	s17 =	rddreg [dreg:$0x15];
	s16 =	sxor.u32 s2, s5;
	s3 =	ssub.s32 s7, s13  }
0xf7: {  	s7 =	ssub.s32 s17, s10;
	s10 =	ssub.s32 s16, s2;
	s2 =	rddreg [dreg:$0x19]  }
0xf8: {  	s9 =	sxor.u32 s21, s9;
	s24 =	spop (v2sf);
	s17 =	rddreg [dreg:$0xf]  }
0xf9: {  	s19 =	ssub.s32 s19, s28;
	(drf) =	srem.u32 s12, s2;
	s12 =	rddreg [dreg:$0x1a]  }
0xfa: {  	s5 =	ssub.s32 s1, s29;
	(drf) =	srem.u32 s6, s12;
	s1 =	spop (drf)  }
0xfb: {  	s9 =	ssub.s32 s9, s21;
	(drf) =	srem.u32 s19, s17;
	s17 =	spop (drf)  }
0xfc: {  	s1 =	sxor.u32 s0, s1;
	s19 =	rddreg [dreg:$0x17];
	s13 =	spop (v2sf)  }
0xfd: {  	(drf) =	srem.u32 s15, s19;
	s16 =	sshra.s32 s13, $0x1F;
	s6 =	spop (v2sf)  }
0xfe: {  	v10 =	vsel vm1, $0x1, v1;
	(drf) =	srem.u32 s4, s7;
	s7 =	sxor.u32 s26, s17;
	s17 =	rddreg [dreg:$0xa]  }
0xff: {  	(xrf0) =	vadd.scan.msk.s32 $0xffff, v10;
	s15 =	sxor.u32 s16, s13;
	s13 =	ssub.s32 s7, s26;
	s26 =	rddreg [dreg:$0x14]  }
0x100: {  	s19 =	ssub.s32 s1, s0;
	s1 =	spop (drf);
	(drf) =	srem.u32 s9, s26  }
.Ltmp1:
0x101: {  	s31 =	sshra.s32 s24, $0x1F;
	s9 =	rddreg [dreg:$0x4];
	(pc) =	sbr.rel @p0 .LBB2_4-.Ltmp1, $4  }
0x102: {  	s12 =	sshra.s32 s6, $0x1F;
	s2 =	spop (drf);
	s26 =	rddreg [dreg:$0xe]  }
0x103: {  	s0 =	sxor.u32 s12, s6;
	s6 =	spop (drf);
	(drf) =	srem.u32 s14, s3  }
0x104: {  	s14 =	sxor.u32 s11, s6;
	s6 =	ssub.s32 s15, s16;
	s16 =	rddreg [dreg:$0xd]  }
0x105: {  	vm3 =	vmmov vm4;
	v10, _, _ =	vpop (xrf0);
	s7 =	sxor.u32 s30, s2;
	s3 =	smov.u32 s11;
	s26 =	ssub.s32 s16, s26  }
0x106: {  	s11 =	spop (drf)  }
0x107: {  	s4 =	spop (drf)  }
0x108: {  	s9 =	sxor.u32 s31, s24;
	s15 =	spop (drf)  }
0x109: {  	s9 =	ssub.s32 s9, s31;
	s16 =	spop (drf)  }
0x10a: {  	(drf) =	srem.u32 s9, s26;
	s24 =	spop (drf)  }
0x10b: {  	s0 =	ssub.s32 s0, s12;
	(drf) =	srem.u32 s10, s22;
	s2 =	spop (drf)  }
0x10c: {  	(drf) =	srem.u32 s5, s0;
	s26 =	sxor.u32 s21, s2;
	s2 =	rddreg [dreg:$0xb]  }
0x10d: {  	(drf) =	srem.u32 s8, s6;
	s0 =	ssub.s32 s26, s21;
	s4 =	sxor.u32 s2, s4  }
0x10e: {  	s2 =	ssub.s32 s4, s2;
	v11 =	vmov s0  }
0x10f: {  	s5 =	ssub.s32 s14, s3;
	v11 =	vsel vm3, s2, v11  }
0x110: {  	s6 =	rddreg [dreg:$0x7];
	v11 =	vsel vm5, s5, v11  }
0x111: {  	s10 =	rddreg [dreg:$0xc];
	s8 =	sxor.u32 s6, s11;
	v11 =	vsel vm9, s19, v11  }
0x112: {  	s11 =	sxor.u32 s10, s16;
	s12 =	spop (drf);
	s0 =	ssub.s32 s8, s6;
	v11 =	vsel vm11, s13, v11  }
0x113: {  	s20 =	rddreg [dreg:$0x8];
	s2 =	ssub.s32 s11, s10;
	s13 =	spop (drf);
	v11 =	vsel vm14, s0, v11  }
0x114: {  	s14 =	ssub.s32 s7, s30;
	s3 =	sxor.u32 s25, s12;
	s16 =	spop (drf);
	v11 =	vsel vm10, s2, v11  }
0x115: {  	s18 =	sxor.u32 s28, s15;
	s3 =	ssub.s32 s3, s25;
	s19 =	spop (drf);
	v11 =	vsel vm6, s14, v11  }
0x116: {  	s21 =	sxor.u32 s20, s24;
	s5 =	ssub.s32 s18, s28;
	s22 =	spop (drf);
	v11 =	vsel vm13, s3, v11  }
0x117: {  	s6 =	ssub.s32 s21, s20;
	s3 =	sxor.u32 s23, s22;
	v11 =	vsel vm15, s5, v11  }
0x118: {  	s24 =	rddreg [dreg:$0x6];
	s4 =	sxor.u32 s29, s19;
	s3 =	ssub.s32 s3, s23;
	v11 =	vsel vm7, s6, v11  }
0x119: {  	v12 =	vld [tilespmem:$0x1FFE0];
	s1 =	sxor.u32 s24, s1;
	s4 =	ssub.s32 s4, s29;
	v11 =	vsel vm8, s3, v11  }
0x11a: {  	s25 =	rddreg [dreg:$0x9];
	s1 =	ssub.s32 s1, s24;
	s0 =	sxor.u32 s31, s13;
	v11 =	vsel vm12, s4, v11  }
0x11b: {  	s0 =	ssub.s32 s0, s31;
	s26 =	sxor.u32 s25, s16;
	v11 =	vsel vm0, s1, v11;
	vm0 =	vcmask $0x3734  }
0x11c: {  	vm3 =	vcmask $0x3B38;
	s1 =	ssub.s32 s26, s25;
	v11 =	vsel vm0, s0, v11  }
0x11d: {  	v11 =	vsel vm3, s1, v11  }
0x11e: {  	v9 =	vadd.s32 s17, v9;
	vm0 =	vnez.u8 v12;
	vm3 =	vne.s32 v11, $0x0  }
0x11f: {  	s17 =	simm.s32 $0x15880;
	v9 =	vbroadcast v9, $0x0;
	s9 =	simm.s32 $0x3880;
	vm2 =	vmand vm0, vm3  }
0x120: {  	s15 =	simm.s32 $0x14880;
	s7 =	sld [smem:$0x7FB];
	s30 =	simm.s32 $0x0;
	v8 =	vadd.s32 v8, v11;
	v6 =	vnsel vm2, $0x0, v6  }
0x121: {  	v9 =	vadd.s32 v9, v10;
	s12 =	simm.s32 $0x13080;
	s8 =	simm.s32 $0x2;
	s20 =	simm.s32 $0x17080;
	v6 =	vadd.s32 v6, v8  }
0x122: {  	s21 =	simm.s32 $0x17880;
	s10 =	simm.s32 $0x12080;
	s31 =	rddreg [dreg:$0x3];
	v6 =	vsel vm1, v9, v6  }
0x123: {  	s11 =	simm.s32 $0x12880;
	s24 =	simm.s32 $0x19080;
	s18 =	simm.s32 $0x16080;
	[tilespmem:v7+s31+$0x0] =	vst.idx.msk $0xffff, v6;
	v6 =	vld [tilespmem:$0x1FFF0]  }
0x124: {  	s28 =	simm.s32 $0x1A880;
	s13 =	simm.s32 $0x13880;
	s16 =	simm.s32 $0x15080  }
0x125: {  	vm9 =	vmmov vm13;
	s14 =	simm.s32 $0x14080;
	s19 =	simm.s32 $0x16880;
	s22 =	simm.s32 $0x18080  }
0x126: {  	vm11 =	vmmov vm14;
	vm14 =	vmmov vm8;
	vm10 =	vmmov vm6;
	s29 =	simm.s32 $0x1B080;
	s5 =	sld [smem:$0x7FD];
	s23 =	simm.s32 $0x18880  }
0x127: {  	vm6 =	vcmask $0xB08;
	vm13 =	vmmov vm7;
	s6 =	simm.s32 $0x0;
	vm7 =	vcmask $0xF0C;
	s3 =	simm.s32 $0x1;
	s4 =	sld [smem:$0x7FC]  }
0x128: {  	s25 =	simm.s32 $0x19880;
	s26 =	simm.s32 $0x1A080;
	s0 =	simm.s32 $0x3040;
	vm0 =	vmmov vm13;
	vm1 =	vcmask $0x1714;
	vm2 =	vnez.u8 v6  }
.LBB2_6:
0x129: {  	v6 =	vld [tilespmem:s0+$0xFFFFFFC0];
	_ =	sdelay $0x4  }
0x12a: {  	v7 =	vshrl.u32 v6, $0x3  }
0x12b: {  	v7 =	vmul.u32 $0x30, v7  }
0x12c: {  	v6 =	vand.u32 $0x7, v6  }
0x12d: {  	v6 =	vor.u32 v6, v7  }
0x12e: {  	v7 =	vperm.xlane v6, v3;
	_ =	sdelay $0x1  }
0x12f: {  	v7 =	vadd.s32 v4, v7;
	_ =	sdelay $0x3  }
0x130: {  	s1 =	rddreg [dreg:$0x1c];
	v6 =	vperm.xlane v6, v5  }
0x131: {  	[tilespmem:s9], [sflag:$0x1] =	stream.indirect_vreg.gather [hbm4b:s7+s6], $0x80, v7, vm2, $0xb8;
	[tilespmem:$0x1B880] =	vst v63  }
0x132: {  	s2 =	rddreg [dreg:$0x1d];
	v6 =	vadd.s32 v4, v6  }
0x133: {  	[tilespmem:s1], [sflag:$0x1] =	stream.indirect_vreg.gather [hbm4b:s4+s6], $0x80, v7, vm2, $0xb8;
	[tilespmem:$0x1B880] =	vst v63  }
0x134: {  	s31 =	rddreg [dreg:$0x1e]  }
0x135: {  	[tilespmem:s2], [sflag:$0x1] =	stream.indirect_vreg.gather [hbm4b:s5+s6], $0x80, v7, vm2, $0xb8;
	[tilespmem:$0x1B880] =	vst v63  }
0x136: {  	s2 =	rddreg [dreg:$0x1f]  }
0x137: {  	[tilespmem:s31], [sflag:$0x1] =	stream.indirect_vreg.gather [hbm4b:s7+s6], $0x80, v6, vm2, $0xb8;
	[tilespmem:$0x1B880] =	vst v63  }
0x138: {  	s31 =	sld [smem:$0x7DF]  }
0x139: {  	[tilespmem:s2], [sflag:$0x1] =	stream.indirect_vreg.gather [hbm4b:s4+s6], $0x80, v6, vm2, $0xb8;
	[tilespmem:$0x1B880] =	vst v63  }
0x13a: {  	_ = 	snop  }
0x13b: {  	[tilespmem:s31], [sflag:$0x1] =	stream.indirect_vreg.gather [hbm4b:s5+s6], $0x80, v6, vm2, $0xb8;
	[tilespmem:$0x1B880] =	vst v63  }
0x13c: {  	v6 =	vld [tilespmem:s0+$0xFFFFFFD0];
	_ =	sdelay $0x4  }
0x13d: {  	v7 =	vshrl.u32 v6, $0x3  }
0x13e: {  	v7 =	vmul.u32 $0x30, v7  }
0x13f: {  	v6 =	vand.u32 $0x7, v6  }
0x140: {  	v6 =	vor.u32 v6, v7  }
0x141: {  	v7 =	vperm.xlane v6, v3;
	_ =	sdelay $0x1  }
0x142: {  	v7 =	vadd.s32 v4, v7;
	_ =	sdelay $0x1  }
0x143: {  	s2 =	sld [smem:$0x7E0];
	_ =	sdelay $0x1  }
0x144: {  	s31 =	sld [smem:$0x7E1];
	v6 =	vperm.xlane v6, v5  }
0x145: {  	[tilespmem:s2], [sflag:$0x1] =	stream.indirect_vreg.gather [hbm4b:s7+s6], $0x80, v7, vm2, $0xb8;
	[tilespmem:$0x1B880] =	vst v63  }
0x146: {  	s1 =	sld [smem:$0x7E2];
	v6 =	vadd.s32 v4, v6  }
0x147: {  	[tilespmem:s31], [sflag:$0x1] =	stream.indirect_vreg.gather [hbm4b:s4+s6], $0x80, v7, vm2, $0xb8;
	[tilespmem:$0x1B880] =	vst v63  }
0x148: {  	s31 =	sld [smem:$0x7E3]  }
0x149: {  	[tilespmem:s1], [sflag:$0x1] =	stream.indirect_vreg.gather [hbm4b:s5+s6], $0x80, v7, vm2, $0xb8;
	[tilespmem:$0x1B880] =	vst v63  }
0x14a: {  	s1 =	sld [smem:$0x7E4]  }
0x14b: {  	[tilespmem:s31], [sflag:$0x1] =	stream.indirect_vreg.gather [hbm4b:s7+s6], $0x80, v6, vm2, $0xb8;
	[tilespmem:$0x1B880] =	vst v63  }
0x14c: {  	s31 =	sld [smem:$0x7E5]  }
0x14d: {  	[tilespmem:s1], [sflag:$0x1] =	stream.indirect_vreg.gather [hbm4b:s4+s6], $0x80, v6, vm2, $0xb8;
	[tilespmem:$0x1B880] =	vst v63  }
0x14e: {  	_ = 	snop  }
0x14f: {  	[tilespmem:s31], [sflag:$0x1] =	stream.indirect_vreg.gather [hbm4b:s5+s6], $0x80, v6, vm2, $0xb8;
	[tilespmem:$0x1B880] =	vst v63  }
0x150: {  	v6 =	vld [tilespmem:s0+$0xFFFFFFE0];
	_ =	sdelay $0x4  }
0x151: {  	v7 =	vshrl.u32 v6, $0x3  }
0x152: {  	v7 =	vmul.u32 $0x30, v7  }
0x153: {  	v6 =	vand.u32 $0x7, v6  }
0x154: {  	v6 =	vor.u32 v6, v7  }
0x155: {  	v7 =	vperm.xlane v6, v3;
	_ =	sdelay $0x1  }
0x156: {  	v7 =	vadd.s32 v4, v7;
	_ =	sdelay $0x1  }
0x157: {  	s2 =	sld [smem:$0x7E6];
	_ =	sdelay $0x1  }
0x158: {  	s31 =	sld [smem:$0x7E7];
	v6 =	vperm.xlane v6, v5  }
0x159: {  	[tilespmem:s2], [sflag:$0x1] =	stream.indirect_vreg.gather [hbm4b:s7+s6], $0x80, v7, vm2, $0xb8;
	[tilespmem:$0x1B880] =	vst v63  }
0x15a: {  	s1 =	sld [smem:$0x7E9];
	v6 =	vadd.s32 v4, v6  }
0x15b: {  	[tilespmem:s31], [sflag:$0x1] =	stream.indirect_vreg.gather [hbm4b:s4+s6], $0x80, v7, vm2, $0xb8;
	[tilespmem:$0x1B880] =	vst v63  }
0x15c: {  	s31 =	sld [smem:$0x7EA]  }
0x15d: {  	[tilespmem:s1], [sflag:$0x1] =	stream.indirect_vreg.gather [hbm4b:s5+s6], $0x80, v7, vm2, $0xb8;
	[tilespmem:$0x1B880] =	vst v63  }
0x15e: {  	s1 =	sld [smem:$0x7EB]  }
0x15f: {  	[tilespmem:s31], [sflag:$0x1] =	stream.indirect_vreg.gather [hbm4b:s7+s6], $0x80, v6, vm2, $0xb8;
	[tilespmem:$0x1B880] =	vst v63  }
0x160: {  	s31 =	sld [smem:$0x7EC]  }
0x161: {  	[tilespmem:s1], [sflag:$0x1] =	stream.indirect_vreg.gather [hbm4b:s4+s6], $0x80, v6, vm2, $0xb8;
	[tilespmem:$0x1B880] =	vst v63  }
0x162: {  	_ = 	snop  }
0x163: {  	[tilespmem:s31], [sflag:$0x1] =	stream.indirect_vreg.gather [hbm4b:s5+s6], $0x80, v6, vm2, $0xb8;
	[tilespmem:$0x1B880] =	vst v63  }
0x164: {  	v6 =	vld [tilespmem:s0+$0xFFFFFFF0];
	_ =	sdelay $0x4  }
0x165: {  	v7 =	vshrl.u32 v6, $0x3  }
0x166: {  	v7 =	vmul.u32 $0x30, v7  }
0x167: {  	v6 =	vand.u32 $0x7, v6  }
0x168: {  	v6 =	vor.u32 v6, v7  }
0x169: {  	v7 =	vperm.xlane v6, v3;
	_ =	sdelay $0x1  }
0x16a: {  	v7 =	vadd.s32 v4, v7;
	_ =	sdelay $0x1  }
0x16b: {  	s2 =	sld [smem:$0x7EE];
	_ =	sdelay $0x1  }
0x16c: {  	s31 =	sld [smem:$0x7F0];
	v6 =	vperm.xlane v6, v5  }
0x16d: {  	[tilespmem:s2], [sflag:$0x1] =	stream.indirect_vreg.gather [hbm4b:s7+s6], $0x80, v7, vm2, $0xb8;
	[tilespmem:$0x1B880] =	vst v63  }
0x16e: {  	s1 =	sld [smem:$0x7F1];
	v6 =	vadd.s32 v4, v6  }
0x16f: {  	[tilespmem:s31], [sflag:$0x1] =	stream.indirect_vreg.gather [hbm4b:s4+s6], $0x80, v7, vm2, $0xb8;
	[tilespmem:$0x1B880] =	vst v63  }
0x170: {  	s31 =	sld [smem:$0x7F2]  }
0x171: {  	[tilespmem:s1], [sflag:$0x1] =	stream.indirect_vreg.gather [hbm4b:s5+s6], $0x80, v7, vm2, $0xb8;
	[tilespmem:$0x1B880] =	vst v63  }
0x172: {  	s1 =	sld [smem:$0x7F4]  }
0x173: {  	[tilespmem:s31], [sflag:$0x1] =	stream.indirect_vreg.gather [hbm4b:s7+s6], $0x80, v6, vm2, $0xb8;
	[tilespmem:$0x1B880] =	vst v63  }
0x174: {  	s31 =	sld [smem:$0x7F5]  }
0x175: {  	[tilespmem:s1], [sflag:$0x1] =	stream.indirect_vreg.gather [hbm4b:s4+s6], $0x80, v6, vm2, $0xb8;
	[tilespmem:$0x1B880] =	vst v63  }
0x176: {  	_ = 	snop  }
0x177: {  	[tilespmem:s31], [sflag:$0x1] =	stream.indirect_vreg.gather [hbm4b:s5+s6], $0x80, v6, vm2, $0xb8;
	[tilespmem:$0x1B880] =	vst v63  }
0x178: {  	v6 =	vld [tilespmem:s0+$0x0];
	_ =	sdelay $0x4  }
0x179: {  	v7 =	vshrl.u32 v6, $0x3  }
0x17a: {  	v7 =	vmul.u32 $0x30, v7  }
0x17b: {  	v6 =	vand.u32 $0x7, v6  }
0x17c: {  	v6 =	vor.u32 v6, v7  }
0x17d: {  	v7 =	vperm.xlane v6, v3;
	_ =	sdelay $0x1  }
0x17e: {  	v7 =	vadd.s32 v4, v7;
	_ =	sdelay $0x1  }
0x17f: {  	s31 =	sld [smem:$0x7F6];
	_ =	sdelay $0x1  }
0x180: {  	s2 =	sld [smem:$0x7F7];
	v6 =	vperm.xlane v6, v5  }
0x181: {  	[tilespmem:s31], [sflag:$0x1] =	stream.indirect_vreg.gather [hbm4b:s7+s6], $0x80, v7, vm2, $0xb8;
	[tilespmem:$0x1B880] =	vst v63  }
0x182: {  	v6 =	vadd.s32 v4, v6;
	s31 =	sld [smem:$0x7F8]  }
0x183: {  	[tilespmem:s2], [sflag:$0x1] =	stream.indirect_vreg.gather [hbm4b:s4+s6], $0x80, v7, vm2, $0xb8;
	[tilespmem:$0x1B880] =	vst v63  }
0x184: {  	s2 =	sld [smem:$0x7F9]  }
0x185: {  	[tilespmem:s31], [sflag:$0x1] =	stream.indirect_vreg.gather [hbm4b:s5+s6], $0x80, v7, vm2, $0xb8;
	[tilespmem:$0x1B880] =	vst v63  }
0x186: {  	s31 =	sld [smem:$0x7FA]  }
0x187: {  	[tilespmem:s2], [sflag:$0x1] =	stream.indirect_vreg.gather [hbm4b:s7+s6], $0x80, v6, vm2, $0xb8;
	[tilespmem:$0x1B880] =	vst v63  }
0x188: {  	_ = 	snop  }
0x189: {  	[tilespmem:s31], [sflag:$0x1] =	stream.indirect_vreg.gather [hbm4b:s4+s6], $0x80, v6, vm2, $0xb8;
	[tilespmem:$0x1B880] =	vst v63  }
0x18a: {  	_ = 	snop  }
0x18b: {  	[tilespmem:s10], [sflag:$0x1] =	stream.indirect_vreg.gather [hbm4b:s5+s6], $0x80, v6, vm2, $0xb8;
	[tilespmem:$0x1B880] =	vst v63  }
0x18c: {  	v6 =	vld [tilespmem:s0+$0x10];
	_ =	sdelay $0x4  }
0x18d: {  	v7 =	vshrl.u32 v6, $0x3  }
0x18e: {  	v7 =	vmul.u32 $0x30, v7  }
0x18f: {  	v6 =	vand.u32 $0x7, v6  }
0x190: {  	v6 =	vor.u32 v6, v7  }
0x191: {  	v7 =	vperm.xlane v6, v3;
	_ =	sdelay $0x1  }
0x192: {  	v7 =	vadd.s32 v4, v7;
	_ =	sdelay $0x3  }
0x193: {  	v6 =	vperm.xlane v6, v5  }
0x194: {  	[tilespmem:s11], [sflag:$0x1] =	stream.indirect_vreg.gather [hbm4b:s7+s6], $0x80, v7, vm2, $0xb8;
	[tilespmem:$0x1B880] =	vst v63  }
0x195: {  	v6 =	vadd.s32 v4, v6  }
0x196: {  	[tilespmem:s12], [sflag:$0x1] =	stream.indirect_vreg.gather [hbm4b:s4+s6], $0x80, v7, vm2, $0xb8;
	[tilespmem:$0x1B880] =	vst v63  }
0x197: {  	_ = 	snop  }
0x198: {  	[tilespmem:s13], [sflag:$0x1] =	stream.indirect_vreg.gather [hbm4b:s5+s6], $0x80, v7, vm2, $0xb8;
	[tilespmem:$0x1B880] =	vst v63  }
0x199: {  	_ = 	snop  }
0x19a: {  	[tilespmem:s14], [sflag:$0x1] =	stream.indirect_vreg.gather [hbm4b:s7+s6], $0x80, v6, vm2, $0xb8;
	[tilespmem:$0x1B880] =	vst v63  }
0x19b: {  	_ = 	snop  }
0x19c: {  	[tilespmem:s15], [sflag:$0x1] =	stream.indirect_vreg.gather [hbm4b:s4+s6], $0x80, v6, vm2, $0xb8;
	[tilespmem:$0x1B880] =	vst v63  }
0x19d: {  	_ = 	snop  }
0x19e: {  	[tilespmem:s16], [sflag:$0x1] =	stream.indirect_vreg.gather [hbm4b:s5+s6], $0x80, v6, vm2, $0xb8;
	[tilespmem:$0x1B880] =	vst v63  }
0x19f: {  	v6 =	vld [tilespmem:s0+$0x20];
	_ =	sdelay $0x4  }
0x1a0: {  	v7 =	vshrl.u32 v6, $0x3  }
0x1a1: {  	v7 =	vmul.u32 $0x30, v7  }
0x1a2: {  	v6 =	vand.u32 $0x7, v6  }
0x1a3: {  	v6 =	vor.u32 v6, v7  }
0x1a4: {  	v7 =	vperm.xlane v6, v3;
	_ =	sdelay $0x1  }
0x1a5: {  	v7 =	vadd.s32 v4, v7;
	_ =	sdelay $0x3  }
0x1a6: {  	v6 =	vperm.xlane v6, v5  }
0x1a7: {  	[tilespmem:s17], [sflag:$0x1] =	stream.indirect_vreg.gather [hbm4b:s7+s6], $0x80, v7, vm2, $0xb8;
	[tilespmem:$0x1B880] =	vst v63  }
0x1a8: {  	v6 =	vadd.s32 v4, v6  }
0x1a9: {  	[tilespmem:s18], [sflag:$0x1] =	stream.indirect_vreg.gather [hbm4b:s4+s6], $0x80, v7, vm2, $0xb8;
	[tilespmem:$0x1B880] =	vst v63  }
0x1aa: {  	_ = 	snop  }
0x1ab: {  	[tilespmem:s19], [sflag:$0x1] =	stream.indirect_vreg.gather [hbm4b:s5+s6], $0x80, v7, vm2, $0xb8;
	[tilespmem:$0x1B880] =	vst v63  }
0x1ac: {  	_ = 	snop  }
0x1ad: {  	[tilespmem:s20], [sflag:$0x1] =	stream.indirect_vreg.gather [hbm4b:s7+s6], $0x80, v6, vm2, $0xb8;
	[tilespmem:$0x1B880] =	vst v63  }
0x1ae: {  	_ = 	snop  }
0x1af: {  	[tilespmem:s21], [sflag:$0x1] =	stream.indirect_vreg.gather [hbm4b:s4+s6], $0x80, v6, vm2, $0xb8;
	[tilespmem:$0x1B880] =	vst v63  }
0x1b0: {  	_ = 	snop  }
0x1b1: {  	[tilespmem:s22], [sflag:$0x1] =	stream.indirect_vreg.gather [hbm4b:s5+s6], $0x80, v6, vm2, $0xb8;
	[tilespmem:$0x1B880] =	vst v63  }
0x1b2: {  	v6 =	vld [tilespmem:s0+$0x30];
	_ =	sdelay $0x4  }
0x1b3: {  	v7 =	vshrl.u32 v6, $0x3  }
0x1b4: {  	v7 =	vmul.u32 $0x30, v7  }
0x1b5: {  	v6 =	vand.u32 $0x7, v6  }
0x1b6: {  	v6 =	vor.u32 v6, v7  }
0x1b7: {  	v7 =	vperm.xlane v6, v3;
	_ =	sdelay $0x1  }
0x1b8: {  	v7 =	vadd.s32 v4, v7;
	_ =	sdelay $0x3  }
0x1b9: {  	v6 =	vperm.xlane v6, v5  }
0x1ba: {  	[tilespmem:s23], [sflag:$0x1] =	stream.indirect_vreg.gather [hbm4b:s7+s6], $0x80, v7, vm2, $0xb8;
	[tilespmem:$0x1B880] =	vst v63  }
0x1bb: {  	v6 =	vadd.s32 v4, v6  }
0x1bc: {  	[tilespmem:s24], [sflag:$0x1] =	stream.indirect_vreg.gather [hbm4b:s4+s6], $0x80, v7, vm2, $0xb8;
	[tilespmem:$0x1B880] =	vst v63  }
0x1bd: {  	_ = 	snop  }
0x1be: {  	[tilespmem:s25], [sflag:$0x1] =	stream.indirect_vreg.gather [hbm4b:s5+s6], $0x80, v7, vm2, $0xb8;
	[tilespmem:$0x1B880] =	vst v63  }
0x1bf: {  	_ = 	snop  }
0x1c0: {  	[tilespmem:s26], [sflag:$0x1] =	stream.indirect_vreg.gather [hbm4b:s7+s6], $0x80, v6, vm2, $0xb8;
	[tilespmem:$0x1B880] =	vst v63  }
0x1c1: {  	_ = 	snop  }
0x1c2: {  	[tilespmem:s28], [sflag:$0x1] =	stream.indirect_vreg.gather [hbm4b:s4+s6], $0x80, v6, vm2, $0xb8;
	[tilespmem:$0x1B880] =	vst v63  }
0x1c3: {  	_ = 	snop  }
0x1c4: {  	[tilespmem:s29], [sflag:$0x1] =	stream.indirect_vreg.gather [hbm4b:s5+s6], $0x80, v6, vm2, $0xb8;
	[tilespmem:$0x1B880] =	vst v63  }
0x1c5: {  	_ =	swait.ge [sflag:s3], $0x18000  }
0x1c6: {  	p0 =	sne.s32 s30, $0x15000;
	s31 =	rddreg [dreg:$0x1b];
	[sflag:s3] =	ssyncset.done $0x0  }
.Ltmp2:
0x1c7: {  	[sflag:s3] =	ssyncadd.s32 $0xFFFE8000;
	s1 =	sadd.s32 s30, s31;
	(pc) =	sbr.rel @p0 .LBB2_6-.Ltmp2, $4  }
0x1c8: {  	[hbm4b:s1+s6] =	stream.linear.scatter [tilespmem:s9], [sflag:$0x2], $0x18000, $0x38;
	[tilespmem:$0x1B880] =	vst v63  }
0x1c9: {  	_ =	swait.ge [sflag:s8], $0x18000  }
0x1ca: {  	[sflag:s8] =	ssyncset.done $0x0  }
0x1cb: {  	s0 =	sadd.s32 $0x80, s0;
	s30 =	sadd.s32 $0x3000, s30;
	[sflag:s8] =	ssyncadd.s32 $0xFFFE8000  }
0x1cc: {  	s1 =	sld [smem:$0x7DE]  }
0x1cd: {  	s0 =	sld [smem:$0x7F3];
	_ =	sdelay $0x1  }
0x1ce: {  	s1 =	sadd.s32 $0x1, s1  }
0x1cf: {  	p0 =	sne.s32 s1, s0  }
.Ltmp3:
0x1d0: {  	_ = 	snop;
	(pc) =	sbr.rel @p0 .LBB2_1-.Ltmp3, $2  }
0x1d1: {  	_ =	sdelay $0x2  }
0x1d2: {  	vm3 =	vmmov vm4  }
0x1d3: {  	_ =	sfence.sel $0x180000  }
0x1d4: {  	[bflag:$0x0] =	sbarrier.arrive $0xFFFF  }
0x1d5: {  	_ =	strace $0x9000004A  }
0x1d6: {  	s0 =	stileid.u32;
	[bflag:$0x2] =	sbarrier.arrive $0xFFFF  }
0x1d7: {  	p0 =	sne.s32 s0, $0x0;
	s0 =	rddreg [dreg:$0x2]  }
0x1d8: {  	s0 =	sadd.s32 @!p0 $0x100000, s0  }
0x1d9: {  	[sflag:s0] =	ssyncadd.tile.s32 @!p0 $0x1;
	_ =	shalt  }
.Lfunc_end2:
_tile_overlayer_lowered:
.L_overlay_start_2:
0x1da: {  	(tag) =	ssettag $0x2  }
0x1db: {  	s0 =	rddreg [dreg:$0x0];
	s2 =	stileid.u32  }
0x1dc: {  	s1 =	rddreg [dreg:$0x1];
	p0 =	sne.s32 s2, $0x0  }
0x1dd: {  	s3 =	rddreg [dreg:$0x2];
	[bflag:$0x3] =	sbarrier.arrive $0xFFFF;
	s2 =	simm.s32 @!p0 $0x1C02  }
0x1de: {  	[timem:s3], [sflag:s2] =	dma.local @!p0 [hbm:s0], s1  }
0x1df: {  	s0 =	simm.s32 @!p0 $0x2  }
0x1e0: {  	_ =	swait.ge @!p0 [sflag:s0], s1  }
0x1e1: {  	s1 =	ssub.s32 @!p0 $0x0, s1;
	[sflag:s0] =	ssyncset.done @!p0 $0x0  }
0x1e2: {  	[sflag:s0] =	ssyncadd.s32 @!p0 s1  }
0x1e3: {  	[bflag:$0x3] =	sbarrier.arrive $0xFFFF  }
0x1e4: {  	_ =	shalt  }

</sc_bundles>
